<compile_context>
chip_gen: v7x
topology: tpu7x:2x2x1
jax: 0.10.2.dev20260603
libtpu: 0.0.44.dev20260713+nightly
codegen_flags: <defaults>
</compile_context>

<pallas_src>
import functools

import jax
import jax.numpy as jnp
from jax import lax
from jax.experimental import pallas as pl
from jax.experimental.pallas import tpu as pltpu
from jax.experimental.pallas import tpu_sc as plsc

NUM_FIELDS = 26
VOCAB = 100000
EMBED_DIM = 64
BATCH = 16384
OUT_ROWS = NUM_FIELDS * EMBED_DIM + 3 * EMBED_DIM
PROJ_BASE = NUM_FIELDS * EMBED_DIM


def _proj_body(f, c, s, wf, wc, ws, bf, bc, bs, o):
    dn0 = (((0,), (0,)), ((), ()))
    dn1 = (((1,), (1,)), ((), ()))
    o[0:64, :] = lax.dot_general(wf[...], f[...], dn0,
                                 preferred_element_type=jnp.float32) + bf[...]
    o[64:128, :] = lax.dot_general(wc[...], c[...], dn1,
                                   preferred_element_type=jnp.float32) + bc[...]
    o[128:192, :] = lax.dot_general(ws[...], s[...], dn1,
                                    preferred_element_type=jnp.float32) + bs[...]


def _proj_t(f_t, c, s, wf, wc_t, ws_t, bf2, bc2, bs2):
    BB = 2048
    grid = (BATCH // BB,)
    return pl.pallas_call(
        _proj_body,
        grid=grid,
        in_specs=[
            pl.BlockSpec((13, BB), lambda i: (0, i)),
            pl.BlockSpec((BB, 768), lambda i: (i, 0)),
            pl.BlockSpec((BB, 768), lambda i: (i, 0)),
            pl.BlockSpec((13, 64), lambda i: (0, 0)),
            pl.BlockSpec((64, 768), lambda i: (0, 0)),
            pl.BlockSpec((64, 768), lambda i: (0, 0)),
            pl.BlockSpec((64, 1), lambda i: (0, 0)),
            pl.BlockSpec((64, 1), lambda i: (0, 0)),
            pl.BlockSpec((64, 1), lambda i: (0, 0)),
        ],
        out_specs=pl.BlockSpec((192, BB), lambda i: (0, i)),
        out_shape=jax.ShapeDtypeStruct((192, BATCH), jnp.float32),
    )(f_t, c, s, wf, wc_t, ws_t, bf2, bc2, bs2)


def _merge_proj(proj_t, out0):
    BB = 8192

    def body(p, o_any, o):
        o[...] = p[...]

    return pl.pallas_call(
        body,
        grid=(BATCH // BB, 3),
        in_specs=[
            pl.BlockSpec((EMBED_DIM, BB), lambda i, j: (j, i)),
            pl.BlockSpec(memory_space=pl.ANY),
        ],
        out_specs=pl.BlockSpec((EMBED_DIM, BB), lambda i, j: (NUM_FIELDS + j, i)),
        out_shape=jax.ShapeDtypeStruct((OUT_ROWS, BATCH), jnp.float32),
        input_output_aliases={1: 0},
    )(proj_t, out0)


def _sc_lookup(tables_dmaj, idx_t):
    mesh = plsc.VectorSubcoreMesh(core_axis_name="c", subcore_axis_name="s")
    QB = BATCH // 4

    @functools.partial(
        pl.kernel,
        mesh=mesh,
        compiler_params=pltpu.CompilerParams(
            use_tc_tiling_on_sc=True, needs_layout_passes=False),
        out_type=jax.ShapeDtypeStruct((OUT_ROWS, BATCH), jnp.float32),
        scratch_types=[
            pltpu.VMEM((VOCAB,), jnp.float32),
            pltpu.VMEM((BATCH,), jnp.int32),
            pltpu.VMEM((QB,), jnp.float32),
            pltpu.VMEM((QB,), jnp.float32),
            pltpu.VMEM_SHARED((2, BATCH), jnp.int32),
            pltpu.SemaphoreType.DMA,
            pltpu.SemaphoreType.DMA,
            pltpu.SemaphoreType.DMA,
        ],
    )
    def k(tbl, idxt, out, row_v, idx_v, res0_v, res1_v, spm_idx, sem0, sem1,
          semp):
        sid = lax.axis_index("s")
        wid = lax.axis_index("c") * 16 + sid
        res = (res0_v, res1_v)
        sems = (sem0, sem1)

        @pl.when(sid == 0)
        def _():
            pltpu.sync_copy(idxt.at[0], spm_idx.at[0])

        plsc.subcore_barrier()

        def field_body(i, carry):
            pltpu.sync_copy(spm_idx.at[i % 2], idx_v)
            pend = [None, None]
            for dd in range(2):
                d = wid * 2 + dd
                pltpu.sync_copy(tbl.at[i, d], row_v)
                for q in range(4):
                    b = q % 2
                    if pend[b] is not None:
                        pend[b].wait()

                    @plsc.parallel_loop(0, QB, step=16, unroll=8)
                    def grp(g, _q=q, _b=b):
                        iv = idx_v[pl.ds(_q * QB + g, 16)]
                        res[_b][pl.ds(g, 16)] = plsc.load_gather(row_v, [iv])

                    pend[b] = pltpu.async_copy(
                        res[b], out.at[i * EMBED_DIM + d, pl.ds(q * QB, QB)],
                        sems[b])
            pend[0].wait()
            pend[1].wait()

            ip1 = jnp.minimum(i + 1, NUM_FIELDS - 1)

            @pl.when(jnp.logical_and(sid == 0, i + 1 < NUM_FIELDS))
            def _():
                pltpu.async_copy(idxt.at[ip1], spm_idx.at[(i + 1) % 2],
                                 semp).wait()

            plsc.subcore_barrier()
            return carry

        lax.fori_loop(0, NUM_FIELDS, field_body, 0)

    return k(tables_dmaj, idx_t)


def kernel(float_inputs, idx_inputs, comment_vecs, spotlight_vecs, tables,
           W_float, b_float, W_comment, b_comment, W_spot, b_spot):
    tables_dmaj = jnp.swapaxes(tables, 1, 2)
    idx_t = idx_inputs.astype(jnp.int32).T
    out0 = _sc_lookup(tables_dmaj, idx_t)
    proj_t = _proj_t(
        float_inputs.T, comment_vecs, spotlight_vecs,
        W_float, W_comment.T, W_spot.T,
        b_float.reshape(EMBED_DIM, 1), b_comment.reshape(EMBED_DIM, 1),
        b_spot.reshape(EMBED_DIM, 1),
    )
    out_t = _merge_proj(proj_t, out0)
    return out_t.T

# --- scband reference (transcript-rebuilt; emitter-appended) ---
"""Pipeline reference for scband-embedding-heads-49383533969526 (READ-ONLY COPY).

The authoritative reference and input builder live on the scoring server;
editing this copy changes nothing except your own understanding.
"""

import jax, jax.numpy as jnp
import numpy as np

NUM_FIELDS = 26
VOCAB = 100000
EMBED_DIM = 64
FLOAT_DIM = 13
NLP_DIM = 768
BATCH = 16384


def setup_inputs(seed: int = 0) -> dict:
    key = jax.random.key(seed)
    ks = [jax.random.fold_in(key, i) for i in range(12)]
    float_inputs = jax.random.normal(ks[0], (BATCH, FLOAT_DIM), dtype=jnp.float32)
    idx_inputs = jax.random.randint(ks[1], (BATCH, NUM_FIELDS), 0, VOCAB, dtype=jnp.int64 if jax.config.jax_enable_x64 else jnp.int32)
    comment_vecs = jax.random.normal(ks[2], (BATCH, NLP_DIM), dtype=jnp.float32)
    spotlight_vecs = jax.random.normal(ks[3], (BATCH, NLP_DIM), dtype=jnp.float32)
    # Learned parameters
    tables = jax.random.normal(ks[4], (NUM_FIELDS, VOCAB, EMBED_DIM), dtype=jnp.float32) * 0.02
    W_float = jax.random.normal(ks[5], (FLOAT_DIM, EMBED_DIM), dtype=jnp.float32) * (1.0 / np.sqrt(FLOAT_DIM))
    b_float = jnp.zeros((EMBED_DIM,), dtype=jnp.float32)
    W_comment = jax.random.normal(ks[6], (NLP_DIM, EMBED_DIM), dtype=jnp.float32) * (1.0 / np.sqrt(NLP_DIM))
    b_comment = jnp.zeros((EMBED_DIM,), dtype=jnp.float32)
    W_spot = jax.random.normal(ks[7], (NLP_DIM, EMBED_DIM), dtype=jnp.float32) * (1.0 / np.sqrt(NLP_DIM))
    b_spot = jnp.zeros((EMBED_DIM,), dtype=jnp.float32)
    return {
        "float_inputs": float_inputs,
        "idx_inputs": idx_inputs,
        "comment_vecs": comment_vecs,
        "spotlight_vecs": spotlight_vecs,
        "tables": tables,
        "W_float": W_float,
        "b_float": b_float,
        "W_comment": W_comment,
        "b_comment": b_comment,
        "W_spot": W_spot,
        "b_spot": b_spot,
    }


def reference(float_inputs, idx_inputs, comment_vecs, spotlight_vecs,
              tables, W_float, b_float, W_comment, b_comment, W_spot, b_spot):
    # Per-field embedding lookup (gather), matching nn.Embedding per field
    emb_list = []
    for i in range(NUM_FIELDS):
        emb_list.append(jnp.take(tables[i], idx_inputs[..., i], axis=0))
    cat_emb = jnp.concatenate(emb_list, axis=-1)
    float_proj = float_inputs @ W_float + b_float
    comm_proj = comment_vecs @ W_comment + b_comment
    spot_proj = spotlight_vecs @ W_spot + b_spot
    return jnp.concatenate([cat_emb, float_proj, comm_proj, spot_proj], axis=-1)

if __name__ == "__main__":
    import jax
    _d = setup_inputs()
    print(jax.jit(kernel)(*tuple(_d.values())))

</pallas_src>

<mosaic_0001>
#map = affine_map<(d0, d1) -> (0, 0, 0)>
#map1 = affine_map<(d0, d1) -> (0, 0)>
module attributes {stable_mosaic.version = 14 : i64} {
  func.func @k(%arg0: i32, %arg1: i32, %arg2: memref<26x64x100000xf32, #tpu.memory_space<hbm>>, %arg3: memref<26x16384xi32, #tpu.memory_space<hbm>>, %arg4: memref<1856x16384xf32, #tpu.memory_space<hbm>>, %arg5: memref<100000xf32, #tpu.memory_space<vmem>>, %arg6: memref<16384xi32, #tpu.memory_space<vmem>>, %arg7: memref<4096xf32, #tpu.memory_space<vmem>>, %arg8: memref<4096xf32, #tpu.memory_space<vmem>>, %arg9: memref<2x16384xi32, #tpu.memory_space<vmem_shared>>, %arg10: memref<!tpu.dma_semaphore, #tpu.memory_space<semaphore_mem>>, %arg11: memref<!tpu.dma_semaphore, #tpu.memory_space<semaphore_mem>>, %arg12: memref<!tpu.dma_semaphore, #tpu.memory_space<semaphore_mem>>) attributes {dimension_semantics = [#tpu.dimension_semantics<core_parallel>, #tpu.dimension_semantics<subcore_parallel>], iteration_bounds = array<i64: 2, 16>, scalar_prefetch = 0 : i64, scratch_operands = 8 : i64, tpu.core_type = #tpu.core_type<sc_vector_subcore>, window_params = [{transform_indices = #map}, {transform_indices = #map1}, {transform_indices = #map1}]} {
    %mul3A = arith.constant 16 : i32
    %mul3A_0 = arith.muli %arg0, %mul3A : i32
    %add3A = arith.addi %mul3A_0, %arg1 : i32
    %eq3A = arith.constant 0 : i32
    %eq3A_1 = arith.cmpi eq, %arg1, %eq3A : i32
    %convert_element_type3A = arith.extui %eq3A_1 : i1 to i32
    %cond3A = arith.constant 0 : i32
    %cond3A_2 = arith.cmpi ne, %convert_element_type3A, %cond3A : i32
    scf.if %cond3A_2 {
      %run_scoped3A = arith.constant 0 : i32
      %run_scoped3A_8 = arith.constant 0 : i32
      "tpu.region"() ({
        %run_scoped3A_9 = tpu.sem_alloc : memref<!tpu.dma_semaphore, #tpu.memory_space<semaphore_mem>>
        %dma_start3A = arith.constant 0 : i32
        %dma_start3A_10 = tpu.memref_slice %arg9[%run_scoped3A_8, %dma_start3A] : memref<2x16384xi32, #tpu.memory_space<vmem_shared>> -> memref<1x16384xi32, #tpu.memory_space<vmem_shared>>
        %dma_start3A_11 = tpu.memref_squeeze %dma_start3A_10 : memref<1x16384xi32, #tpu.memory_space<vmem_shared>> -> memref<16384xi32, #tpu.memory_space<vmem_shared>>
        %dma_start3A_12 = arith.constant 0 : i32
        %dma_start3A_13 = tpu.memref_slice %arg3[%run_scoped3A, %dma_start3A_12] : memref<26x16384xi32, #tpu.memory_space<hbm>> -> memref<1x16384xi32, #tpu.memory_space<hbm>>
        %dma_start3A_14 = tpu.memref_squeeze %dma_start3A_13 : memref<1x16384xi32, #tpu.memory_space<hbm>> -> memref<16384xi32, #tpu.memory_space<hbm>>
        tpu.enqueue_dma source(%dma_start3A_14 : memref<16384xi32, #tpu.memory_space<hbm>>) target(%dma_start3A_11 : memref<16384xi32, #tpu.memory_space<vmem_shared>>) target_semaphore(%run_scoped3A_9 : memref<!tpu.dma_semaphore, #tpu.memory_space<semaphore_mem>>)
        %dma_wait3A = arith.constant 0 : i32
        %dma_wait3A_15 = tpu.memref_slice %arg9[%run_scoped3A_8, %dma_wait3A] : memref<2x16384xi32, #tpu.memory_space<vmem_shared>> -> memref<1x16384xi32, #tpu.memory_space<vmem_shared>>
        %dma_wait3A_16 = tpu.memref_squeeze %dma_wait3A_15 : memref<1x16384xi32, #tpu.memory_space<vmem_shared>> -> memref<16384xi32, #tpu.memory_space<vmem_shared>>
        %dma_wait3A_17 = arith.constant 0 : i32
        %dma_wait3A_18 = tpu.memref_slice %arg3[%run_scoped3A, %dma_wait3A_17] : memref<26x16384xi32, #tpu.memory_space<hbm>> -> memref<1x16384xi32, #tpu.memory_space<hbm>>
        %dma_wait3A_19 = tpu.memref_squeeze %dma_wait3A_18 : memref<1x16384xi32, #tpu.memory_space<hbm>> -> memref<16384xi32, #tpu.memory_space<hbm>>
        tpu.wait_dma2 semaphore(%run_scoped3A_9 : memref<!tpu.dma_semaphore, #tpu.memory_space<semaphore_mem>>) src(%dma_wait3A_19 : memref<16384xi32, #tpu.memory_space<hbm>>) dst(%dma_wait3A_16 : memref<16384xi32, #tpu.memory_space<vmem_shared>>)
        tpu.yield
      }) : () -> ()
    } else {
    }
    %barrier3A = arith.constant 0 : index
    tpu.barrier barrier_id(%barrier3A)
    %scan3A = arith.constant 0 : i32
    %scan3A_3 = arith.constant 0 : i32
    %scan3A_4 = arith.constant 26 : i32
    %scan3A_5 = arith.addi %scan3A_3, %scan3A_4 : i32
    %scan3A_6 = arith.constant 1 : i32
    scf.for %scan3A_8 = %scan3A_3 to %scan3A_5 step %scan3A_6  : i32 {
      %jit3A = arith.constant 2 : i32
      %eq3A_9 = arith.constant 0 : i32
      %eq3A_10 = arith.cmpi eq, %jit3A, %eq3A_9 : i32
      %jit3A_11 = arith.constant 1 : i32
      %select_n3A = arith.select %eq3A_10, %jit3A_11, %jit3A : i32
      %rem3A = arith.remsi %scan3A_8, %select_n3A : i32
      %ne3A = arith.constant 0 : i32
      %ne3A_12 = arith.cmpi ne, %rem3A, %ne3A : i32
      %lt3A = arith.constant 0 : i32
      %lt3A_13 = arith.cmpi slt, %rem3A, %lt3A : i32
      %lt3A_14 = arith.constant 0 : i32
      %lt3A_15 = arith.cmpi slt, %select_n3A, %lt3A_14 : i32
      %ne3A_16 = arith.xori %lt3A_13, %lt3A_15 : i1
      %and3A = arith.andi %ne3A_16, %ne3A_12 : i1
      %add3A_17 = arith.addi %rem3A, %select_n3A : i32
      %select_n3A_18 = arith.select %and3A, %add3A_17, %rem3A : i32
      "tpu.region"() ({
        %run_scoped3A = tpu.sem_alloc : memref<!tpu.dma_semaphore, #tpu.memory_space<semaphore_mem>>
        %dma_start3A_182 = arith.constant 0 : i32
        %dma_start3A_183 = tpu.memref_slice %arg9[%select_n3A_18, %dma_start3A_182] : memref<2x16384xi32, #tpu.memory_space<vmem_shared>> -> memref<1x16384xi32, #tpu.memory_space<vmem_shared>>
        %dma_start3A_184 = tpu.memref_squeeze %dma_start3A_183 : memref<1x16384xi32, #tpu.memory_space<vmem_shared>> -> memref<16384xi32, #tpu.memory_space<vmem_shared>>
        %dma_start3A_185 = arith.constant 0 : i32
        %dma_start3A_186 = tpu.memref_slice %arg9[%select_n3A_18, %dma_start3A_185] : memref<2x16384xi32, #tpu.memory_space<vmem_shared>> -> memref<1x16384xi32, #tpu.memory_space<vmem_shared>>
        %dma_start3A_187 = tpu.memref_squeeze %dma_start3A_186 : memref<1x16384xi32, #tpu.memory_space<vmem_shared>> -> memref<16384xi32, #tpu.memory_space<vmem_shared>>
        tpu.enqueue_dma source(%dma_start3A_187 : memref<16384xi32, #tpu.memory_space<vmem_shared>>) target(%arg6 : memref<16384xi32, #tpu.memory_space<vmem>>) target_semaphore(%run_scoped3A : memref<!tpu.dma_semaphore, #tpu.memory_space<semaphore_mem>>)
        %dma_wait3A_188 = arith.constant 0 : i32
        %dma_wait3A_189 = tpu.memref_slice %arg9[%select_n3A_18, %dma_wait3A_188] : memref<2x16384xi32, #tpu.memory_space<vmem_shared>> -> memref<1x16384xi32, #tpu.memory_space<vmem_shared>>
        %dma_wait3A_190 = tpu.memref_squeeze %dma_wait3A_189 : memref<1x16384xi32, #tpu.memory_space<vmem_shared>> -> memref<16384xi32, #tpu.memory_space<vmem_shared>>
        %dma_wait3A_191 = arith.constant 0 : i32
        %dma_wait3A_192 = tpu.memref_slice %arg9[%select_n3A_18, %dma_wait3A_191] : memref<2x16384xi32, #tpu.memory_space<vmem_shared>> -> memref<1x16384xi32, #tpu.memory_space<vmem_shared>>
        %dma_wait3A_193 = tpu.memref_squeeze %dma_wait3A_192 : memref<1x16384xi32, #tpu.memory_space<vmem_shared>> -> memref<16384xi32, #tpu.memory_space<vmem_shared>>
        tpu.wait_dma2 semaphore(%run_scoped3A : memref<!tpu.dma_semaphore, #tpu.memory_space<semaphore_mem>>) src(%dma_wait3A_193 : memref<16384xi32, #tpu.memory_space<vmem_shared>>) dst(%arg6 : memref<16384xi32, #tpu.memory_space<vmem>>)
        tpu.yield
      }) : () -> ()
      %mul3A_19 = arith.constant 2 : i32
      %mul3A_20 = arith.muli %add3A, %mul3A_19 : i32
      %add3A_21 = arith.constant 0 : i32
      %add3A_22 = arith.addi %mul3A_20, %add3A_21 : i32
      "tpu.region"() ({
        %run_scoped3A = tpu.sem_alloc : memref<!tpu.dma_semaphore, #tpu.memory_space<semaphore_mem>>
        %dma_start3A_182 = arith.constant 0 : i32
        %dma_start3A_183 = tpu.memref_slice %arg2[%scan3A_8, %add3A_22, %dma_start3A_182] : memref<26x64x100000xf32, #tpu.memory_space<hbm>> -> memref<1x1x100000xf32, #tpu.memory_space<hbm>>
        %dma_start3A_184 = tpu.memref_squeeze %dma_start3A_183 : memref<1x1x100000xf32, #tpu.memory_space<hbm>> -> memref<100000xf32, #tpu.memory_space<hbm>>
        %dma_start3A_185 = arith.constant 0 : i32
        %dma_start3A_186 = tpu.memref_slice %arg2[%scan3A_8, %add3A_22, %dma_start3A_185] : memref<26x64x100000xf32, #tpu.memory_space<hbm>> -> memref<1x1x100000xf32, #tpu.memory_space<hbm>>
        %dma_start3A_187 = tpu.memref_squeeze %dma_start3A_186 : memref<1x1x100000xf32, #tpu.memory_space<hbm>> -> memref<100000xf32, #tpu.memory_space<hbm>>
        tpu.enqueue_dma source(%dma_start3A_187 : memref<100000xf32, #tpu.memory_space<hbm>>) target(%arg5 : memref<100000xf32, #tpu.memory_space<vmem>>) target_semaphore(%run_scoped3A : memref<!tpu.dma_semaphore, #tpu.memory_space<semaphore_mem>>)
        %dma_wait3A_188 = arith.constant 0 : i32
        %dma_wait3A_189 = tpu.memref_slice %arg2[%scan3A_8, %add3A_22, %dma_wait3A_188] : memref<26x64x100000xf32, #tpu.memory_space<hbm>> -> memref<1x1x100000xf32, #tpu.memory_space<hbm>>
        %dma_wait3A_190 = tpu.memref_squeeze %dma_wait3A_189 : memref<1x1x100000xf32, #tpu.memory_space<hbm>> -> memref<100000xf32, #tpu.memory_space<hbm>>
        %dma_wait3A_191 = arith.constant 0 : i32
        %dma_wait3A_192 = tpu.memref_slice %arg2[%scan3A_8, %add3A_22, %dma_wait3A_191] : memref<26x64x100000xf32, #tpu.memory_space<hbm>> -> memref<1x1x100000xf32, #tpu.memory_space<hbm>>
        %dma_wait3A_193 = tpu.memref_squeeze %dma_wait3A_192 : memref<1x1x100000xf32, #tpu.memory_space<hbm>> -> memref<100000xf32, #tpu.memory_space<hbm>>
        tpu.wait_dma2 semaphore(%run_scoped3A : memref<!tpu.dma_semaphore, #tpu.memory_space<semaphore_mem>>) src(%dma_wait3A_193 : memref<100000xf32, #tpu.memory_space<hbm>>) dst(%arg5 : memref<100000xf32, #tpu.memory_space<vmem>>)
        tpu.yield
      }) : () -> ()
      %parallel_loop3A = arith.constant 0 : i32
      %parallel_loop3A_23 = arith.constant 4096 : i32
      %parallel_loop3A_24 = arith.constant 16 : i32
      scf.for %parallel_loop3A_182 = %parallel_loop3A to %parallel_loop3A_23 step %parallel_loop3A_24  : i32 {
        %parallel_loop3A_183 = arith.constant 0 : i32
        %parallel_loop3A_184 = arith.addi %parallel_loop3A_183, %parallel_loop3A_182 : i32
        %parallel_loop3A_185 = arith.index_cast %parallel_loop3A_184 : i32 to index
        %parallel_loop3A_186 = tpu.vector_load %arg6[%parallel_loop3A_185] {strides = array<i32>} : memref<16384xi32, #tpu.memory_space<vmem>>, vector<16xi32>,
        %parallel_loop3A_187 = tpu.vector_load_idx %arg5[%parallel_loop3A_186] : memref<100000xf32, #tpu.memory_space<vmem>>[vector<16xi32>], vector<16xf32>,
        %parallel_loop3A_188 = arith.index_cast %parallel_loop3A_182 : i32 to index
        %parallel_loop3A_189 = tpu.vector_load %arg7[%parallel_loop3A_188] {strides = array<i32>} : memref<4096xf32, #tpu.memory_space<vmem>>, vector<16xf32>,
        tpu.vector_store %arg7[%parallel_loop3A_188], %parallel_loop3A_187 {strides = array<i32>} : memref<4096xf32, #tpu.memory_space<vmem>>, vector<16xf32>,
      } {sc.loop_unroll_factor = 8 : i64, sc.parallel_access}
      %mul3A_25 = arith.constant 64 : i32
      %mul3A_26 = arith.muli %scan3A_8, %mul3A_25 : i32
      %add3A_27 = arith.addi %mul3A_26, %add3A_22 : i32
      %dma_start3A = arith.constant 0 : i32
      %dma_start3A_28 = tpu.memref_slice %arg4[%add3A_27, %dma_start3A] : memref<1856x16384xf32, #tpu.memory_space<hbm>> -> memref<1x4096xf32, #tpu.memory_space<hbm>>
      %dma_start3A_29 = tpu.memref_squeeze %dma_start3A_28 : memref<1x4096xf32, #tpu.memory_space<hbm>> -> memref<4096xf32, #tpu.memory_space<hbm>>
      %dma_start3A_30 = arith.constant 0 : i32
      %dma_start3A_31 = tpu.memref_slice %arg4[%add3A_27, %dma_start3A_30] : memref<1856x16384xf32, #tpu.memory_space<hbm>> -> memref<1x4096xf32, #tpu.memory_space<hbm>>
      %dma_start3A_32 = tpu.memref_squeeze %dma_start3A_31 : memref<1x4096xf32, #tpu.memory_space<hbm>> -> memref<4096xf32, #tpu.memory_space<hbm>>
      tpu.enqueue_dma source(%arg7 : memref<4096xf32, #tpu.memory_space<vmem>>) target(%dma_start3A_32 : memref<4096xf32, #tpu.memory_space<hbm>>) target_semaphore(%arg10 : memref<!tpu.dma_semaphore, #tpu.memory_space<semaphore_mem>>)
      %parallel_loop3A_33 = arith.constant 0 : i32
      %parallel_loop3A_34 = arith.constant 4096 : i32
      %parallel_loop3A_35 = arith.constant 16 : i32
      scf.for %parallel_loop3A_182 = %parallel_loop3A_33 to %parallel_loop3A_34 step %parallel_loop3A_35  : i32 {
        %parallel_loop3A_183 = arith.constant 4096 : i32
        %parallel_loop3A_184 = arith.addi %parallel_loop3A_183, %parallel_loop3A_182 : i32
        %parallel_loop3A_185 = arith.index_cast %parallel_loop3A_184 : i32 to index
        %parallel_loop3A_186 = tpu.vector_load %arg6[%parallel_loop3A_185] {strides = array<i32>} : memref<16384xi32, #tpu.memory_space<vmem>>, vector<16xi32>,
        %parallel_loop3A_187 = tpu.vector_load_idx %arg5[%parallel_loop3A_186] : memref<100000xf32, #tpu.memory_space<vmem>>[vector<16xi32>], vector<16xf32>,
        %parallel_loop3A_188 = arith.index_cast %parallel_loop3A_182 : i32 to index
        %parallel_loop3A_189 = tpu.vector_load %arg8[%parallel_loop3A_188] {strides = array<i32>} : memref<4096xf32, #tpu.memory_space<vmem>>, vector<16xf32>,
        tpu.vector_store %arg8[%parallel_loop3A_188], %parallel_loop3A_187 {strides = array<i32>} : memref<4096xf32, #tpu.memory_space<vmem>>, vector<16xf32>,
      } {sc.loop_unroll_factor = 8 : i64, sc.parallel_access}
      %mul3A_36 = arith.constant 64 : i32
      %mul3A_37 = arith.muli %scan3A_8, %mul3A_36 : i32
      %add3A_38 = arith.addi %mul3A_37, %add3A_22 : i32
      %dma_start3A_39 = arith.constant 4096 : i32
      %dma_start3A_40 = tpu.memref_slice %arg4[%add3A_38, %dma_start3A_39] : memref<1856x16384xf32, #tpu.memory_space<hbm>> -> memref<1x4096xf32, #tpu.memory_space<hbm>>
      %dma_start3A_41 = tpu.memref_squeeze %dma_start3A_40 : memref<1x4096xf32, #tpu.memory_space<hbm>> -> memref<4096xf32, #tpu.memory_space<hbm>>
      %dma_start3A_42 = arith.constant 4096 : i32
      %dma_start3A_43 = tpu.memref_slice %arg4[%add3A_38, %dma_start3A_42] : memref<1856x16384xf32, #tpu.memory_space<hbm>> -> memref<1x4096xf32, #tpu.memory_space<hbm>>
      %dma_start3A_44 = tpu.memref_squeeze %dma_start3A_43 : memref<1x4096xf32, #tpu.memory_space<hbm>> -> memref<4096xf32, #tpu.memory_space<hbm>>
      tpu.enqueue_dma source(%arg8 : memref<4096xf32, #tpu.memory_space<vmem>>) target(%dma_start3A_44 : memref<4096xf32, #tpu.memory_space<hbm>>) target_semaphore(%arg11 : memref<!tpu.dma_semaphore, #tpu.memory_space<semaphore_mem>>)
      %dma_wait3A = arith.constant 0 : i32
      %dma_wait3A_45 = tpu.memref_slice %arg4[%add3A_27, %dma_wait3A] : memref<1856x16384xf32, #tpu.memory_space<hbm>> -> memref<1x4096xf32, #tpu.memory_space<hbm>>
      %dma_wait3A_46 = tpu.memref_squeeze %dma_wait3A_45 : memref<1x4096xf32, #tpu.memory_space<hbm>> -> memref<4096xf32, #tpu.memory_space<hbm>>
      %dma_wait3A_47 = arith.constant 0 : i32
      %dma_wait3A_48 = tpu.memref_slice %arg4[%add3A_27, %dma_wait3A_47] : memref<1856x16384xf32, #tpu.memory_space<hbm>> -> memref<1x4096xf32, #tpu.memory_space<hbm>>
      %dma_wait3A_49 = tpu.memref_squeeze %dma_wait3A_48 : memref<1x4096xf32, #tpu.memory_space<hbm>> -> memref<4096xf32, #tpu.memory_space<hbm>>
      tpu.wait_dma2 semaphore(%arg10 : memref<!tpu.dma_semaphore, #tpu.memory_space<semaphore_mem>>) src(%arg7 : memref<4096xf32, #tpu.memory_space<vmem>>) dst(%dma_wait3A_49 : memref<4096xf32, #tpu.memory_space<hbm>>)
      %parallel_loop3A_50 = arith.constant 0 : i32
      %parallel_loop3A_51 = arith.constant 4096 : i32
      %parallel_loop3A_52 = arith.constant 16 : i32
      scf.for %parallel_loop3A_182 = %parallel_loop3A_50 to %parallel_loop3A_51 step %parallel_loop3A_52  : i32 {
        %parallel_loop3A_183 = arith.constant 8192 : i32
        %parallel_loop3A_184 = arith.addi %parallel_loop3A_183, %parallel_loop3A_182 : i32
        %parallel_loop3A_185 = arith.index_cast %parallel_loop3A_184 : i32 to index
        %parallel_loop3A_186 = tpu.vector_load %arg6[%parallel_loop3A_185] {strides = array<i32>} : memref<16384xi32, #tpu.memory_space<vmem>>, vector<16xi32>,
        %parallel_loop3A_187 = tpu.vector_load_idx %arg5[%parallel_loop3A_186] : memref<100000xf32, #tpu.memory_space<vmem>>[vector<16xi32>], vector<16xf32>,
        %parallel_loop3A_188 = arith.index_cast %parallel_loop3A_182 : i32 to index
        %parallel_loop3A_189 = tpu.vector_load %arg7[%parallel_loop3A_188] {strides = array<i32>} : memref<4096xf32, #tpu.memory_space<vmem>>, vector<16xf32>,
        tpu.vector_store %arg7[%parallel_loop3A_188], %parallel_loop3A_187 {strides = array<i32>} : memref<4096xf32, #tpu.memory_space<vmem>>, vector<16xf32>,
      } {sc.loop_unroll_factor = 8 : i64, sc.parallel_access}
      %mul3A_53 = arith.constant 64 : i32
      %mul3A_54 = arith.muli %scan3A_8, %mul3A_53 : i32
      %add3A_55 = arith.addi %mul3A_54, %add3A_22 : i32
      %dma_start3A_56 = arith.constant 8192 : i32
      %dma_start3A_57 = tpu.memref_slice %arg4[%add3A_55, %dma_start3A_56] : memref<1856x16384xf32, #tpu.memory_space<hbm>> -> memref<1x4096xf32, #tpu.memory_space<hbm>>
      %dma_start3A_58 = tpu.memref_squeeze %dma_start3A_57 : memref<1x4096xf32, #tpu.memory_space<hbm>> -> memref<4096xf32, #tpu.memory_space<hbm>>
      %dma_start3A_59 = arith.constant 8192 : i32
      %dma_start3A_60 = tpu.memref_slice %arg4[%add3A_55, %dma_start3A_59] : memref<1856x16384xf32, #tpu.memory_space<hbm>> -> memref<1x4096xf32, #tpu.memory_space<hbm>>
      %dma_start3A_61 = tpu.memref_squeeze %dma_start3A_60 : memref<1x4096xf32, #tpu.memory_space<hbm>> -> memref<4096xf32, #tpu.memory_space<hbm>>
      tpu.enqueue_dma source(%arg7 : memref<4096xf32, #tpu.memory_space<vmem>>) target(%dma_start3A_61 : memref<4096xf32, #tpu.memory_space<hbm>>) target_semaphore(%arg10 : memref<!tpu.dma_semaphore, #tpu.memory_space<semaphore_mem>>)
      %dma_wait3A_62 = arith.constant 4096 : i32
      %dma_wait3A_63 = tpu.memref_slice %arg4[%add3A_38, %dma_wait3A_62] : memref<1856x16384xf32, #tpu.memory_space<hbm>> -> memref<1x4096xf32, #tpu.memory_space<hbm>>
      %dma_wait3A_64 = tpu.memref_squeeze %dma_wait3A_63 : memref<1x4096xf32, #tpu.memory_space<hbm>> -> memref<4096xf32, #tpu.memory_space<hbm>>
      %dma_wait3A_65 = arith.constant 4096 : i32
      %dma_wait3A_66 = tpu.memref_slice %arg4[%add3A_38, %dma_wait3A_65] : memref<1856x16384xf32, #tpu.memory_space<hbm>> -> memref<1x4096xf32, #tpu.memory_space<hbm>>
      %dma_wait3A_67 = tpu.memref_squeeze %dma_wait3A_66 : memref<1x4096xf32, #tpu.memory_space<hbm>> -> memref<4096xf32, #tpu.memory_space<hbm>>
      tpu.wait_dma2 semaphore(%arg11 : memref<!tpu.dma_semaphore, #tpu.memory_space<semaphore_mem>>) src(%arg8 : memref<4096xf32, #tpu.memory_space<vmem>>) dst(%dma_wait3A_67 : memref<4096xf32, #tpu.memory_space<hbm>>)
      %parallel_loop3A_68 = arith.constant 0 : i32
      %parallel_loop3A_69 = arith.constant 4096 : i32
      %parallel_loop3A_70 = arith.constant 16 : i32
      scf.for %parallel_loop3A_182 = %parallel_loop3A_68 to %parallel_loop3A_69 step %parallel_loop3A_70  : i32 {
        %parallel_loop3A_183 = arith.constant 12288 : i32
        %parallel_loop3A_184 = arith.addi %parallel_loop3A_183, %parallel_loop3A_182 : i32
        %parallel_loop3A_185 = arith.index_cast %parallel_loop3A_184 : i32 to index
        %parallel_loop3A_186 = tpu.vector_load %arg6[%parallel_loop3A_185] {strides = array<i32>} : memref<16384xi32, #tpu.memory_space<vmem>>, vector<16xi32>,
        %parallel_loop3A_187 = tpu.vector_load_idx %arg5[%parallel_loop3A_186] : memref<100000xf32, #tpu.memory_space<vmem>>[vector<16xi32>], vector<16xf32>,
        %parallel_loop3A_188 = arith.index_cast %parallel_loop3A_182 : i32 to index
        %parallel_loop3A_189 = tpu.vector_load %arg8[%parallel_loop3A_188] {strides = array<i32>} : memref<4096xf32, #tpu.memory_space<vmem>>, vector<16xf32>,
        tpu.vector_store %arg8[%parallel_loop3A_188], %parallel_loop3A_187 {strides = array<i32>} : memref<4096xf32, #tpu.memory_space<vmem>>, vector<16xf32>,
      } {sc.loop_unroll_factor = 8 : i64, sc.parallel_access}
      %mul3A_71 = arith.constant 64 : i32
      %mul3A_72 = arith.muli %scan3A_8, %mul3A_71 : i32
      %add3A_73 = arith.addi %mul3A_72, %add3A_22 : i32
      %dma_start3A_74 = arith.constant 12288 : i32
      %dma_start3A_75 = tpu.memref_slice %arg4[%add3A_73, %dma_start3A_74] : memref<1856x16384xf32, #tpu.memory_space<hbm>> -> memref<1x4096xf32, #tpu.memory_space<hbm>>
      %dma_start3A_76 = tpu.memref_squeeze %dma_start3A_75 : memref<1x4096xf32, #tpu.memory_space<hbm>> -> memref<4096xf32, #tpu.memory_space<hbm>>
      %dma_start3A_77 = arith.constant 12288 : i32
      %dma_start3A_78 = tpu.memref_slice %arg4[%add3A_73, %dma_start3A_77] : memref<1856x16384xf32, #tpu.memory_space<hbm>> -> memref<1x4096xf32, #tpu.memory_space<hbm>>
      %dma_start3A_79 = tpu.memref_squeeze %dma_start3A_78 : memref<1x4096xf32, #tpu.memory_space<hbm>> -> memref<4096xf32, #tpu.memory_space<hbm>>
      tpu.enqueue_dma source(%arg8 : memref<4096xf32, #tpu.memory_space<vmem>>) target(%dma_start3A_79 : memref<4096xf32, #tpu.memory_space<hbm>>) target_semaphore(%arg11 : memref<!tpu.dma_semaphore, #tpu.memory_space<semaphore_mem>>)
      %mul3A_80 = arith.constant 2 : i32
      %mul3A_81 = arith.muli %add3A, %mul3A_80 : i32
      %add3A_82 = arith.constant 1 : i32
      %add3A_83 = arith.addi %mul3A_81, %add3A_82 : i32
      "tpu.region"() ({
        %run_scoped3A = tpu.sem_alloc : memref<!tpu.dma_semaphore, #tpu.memory_space<semaphore_mem>>
        %dma_start3A_182 = arith.constant 0 : i32
        %dma_start3A_183 = tpu.memref_slice %arg2[%scan3A_8, %add3A_83, %dma_start3A_182] : memref<26x64x100000xf32, #tpu.memory_space<hbm>> -> memref<1x1x100000xf32, #tpu.memory_space<hbm>>
        %dma_start3A_184 = tpu.memref_squeeze %dma_start3A_183 : memref<1x1x100000xf32, #tpu.memory_space<hbm>> -> memref<100000xf32, #tpu.memory_space<hbm>>
        %dma_start3A_185 = arith.constant 0 : i32
        %dma_start3A_186 = tpu.memref_slice %arg2[%scan3A_8, %add3A_83, %dma_start3A_185] : memref<26x64x100000xf32, #tpu.memory_space<hbm>> -> memref<1x1x100000xf32, #tpu.memory_space<hbm>>
        %dma_start3A_187 = tpu.memref_squeeze %dma_start3A_186 : memref<1x1x100000xf32, #tpu.memory_space<hbm>> -> memref<100000xf32, #tpu.memory_space<hbm>>
        tpu.enqueue_dma source(%dma_start3A_187 : memref<100000xf32, #tpu.memory_space<hbm>>) target(%arg5 : memref<100000xf32, #tpu.memory_space<vmem>>) target_semaphore(%run_scoped3A : memref<!tpu.dma_semaphore, #tpu.memory_space<semaphore_mem>>)
        %dma_wait3A_188 = arith.constant 0 : i32
        %dma_wait3A_189 = tpu.memref_slice %arg2[%scan3A_8, %add3A_83, %dma_wait3A_188] : memref<26x64x100000xf32, #tpu.memory_space<hbm>> -> memref<1x1x100000xf32, #tpu.memory_space<hbm>>
        %dma_wait3A_190 = tpu.memref_squeeze %dma_wait3A_189 : memref<1x1x100000xf32, #tpu.memory_space<hbm>> -> memref<100000xf32, #tpu.memory_space<hbm>>
        %dma_wait3A_191 = arith.constant 0 : i32
        %dma_wait3A_192 = tpu.memref_slice %arg2[%scan3A_8, %add3A_83, %dma_wait3A_191] : memref<26x64x100000xf32, #tpu.memory_space<hbm>> -> memref<1x1x100000xf32, #tpu.memory_space<hbm>>
        %dma_wait3A_193 = tpu.memref_squeeze %dma_wait3A_192 : memref<1x1x100000xf32, #tpu.memory_space<hbm>> -> memref<100000xf32, #tpu.memory_space<hbm>>
        tpu.wait_dma2 semaphore(%run_scoped3A : memref<!tpu.dma_semaphore, #tpu.memory_space<semaphore_mem>>) src(%dma_wait3A_193 : memref<100000xf32, #tpu.memory_space<hbm>>) dst(%arg5 : memref<100000xf32, #tpu.memory_space<vmem>>)
        tpu.yield
      }) : () -> ()
      %dma_wait3A_84 = arith.constant 8192 : i32
      %dma_wait3A_85 = tpu.memref_slice %arg4[%add3A_55, %dma_wait3A_84] : memref<1856x16384xf32, #tpu.memory_space<hbm>> -> memref<1x4096xf32, #tpu.memory_space<hbm>>
      %dma_wait3A_86 = tpu.memref_squeeze %dma_wait3A_85 : memref<1x4096xf32, #tpu.memory_space<hbm>> -> memref<4096xf32, #tpu.memory_space<hbm>>
      %dma_wait3A_87 = arith.constant 8192 : i32
      %dma_wait3A_88 = tpu.memref_slice %arg4[%add3A_55, %dma_wait3A_87] : memref<1856x16384xf32, #tpu.memory_space<hbm>> -> memref<1x4096xf32, #tpu.memory_space<hbm>>
      %dma_wait3A_89 = tpu.memref_squeeze %dma_wait3A_88 : memref<1x4096xf32, #tpu.memory_space<hbm>> -> memref<4096xf32, #tpu.memory_space<hbm>>
      tpu.wait_dma2 semaphore(%arg10 : memref<!tpu.dma_semaphore, #tpu.memory_space<semaphore_mem>>) src(%arg7 : memref<4096xf32, #tpu.memory_space<vmem>>) dst(%dma_wait3A_89 : memref<4096xf32, #tpu.memory_space<hbm>>)
      %parallel_loop3A_90 = arith.constant 0 : i32
      %parallel_loop3A_91 = arith.constant 4096 : i32
      %parallel_loop3A_92 = arith.constant 16 : i32
      scf.for %parallel_loop3A_182 = %parallel_loop3A_90 to %parallel_loop3A_91 step %parallel_loop3A_92  : i32 {
        %parallel_loop3A_183 = arith.constant 0 : i32
        %parallel_loop3A_184 = arith.addi %parallel_loop3A_183, %parallel_loop3A_182 : i32
        %parallel_loop3A_185 = arith.index_cast %parallel_loop3A_184 : i32 to index
        %parallel_loop3A_186 = tpu.vector_load %arg6[%parallel_loop3A_185] {strides = array<i32>} : memref<16384xi32, #tpu.memory_space<vmem>>, vector<16xi32>,
        %parallel_loop3A_187 = tpu.vector_load_idx %arg5[%parallel_loop3A_186] : memref<100000xf32, #tpu.memory_space<vmem>>[vector<16xi32>], vector<16xf32>,
        %parallel_loop3A_188 = arith.index_cast %parallel_loop3A_182 : i32 to index
        %parallel_loop3A_189 = tpu.vector_load %arg7[%parallel_loop3A_188] {strides = array<i32>} : memref<4096xf32, #tpu.memory_space<vmem>>, vector<16xf32>,
        tpu.vector_store %arg7[%parallel_loop3A_188], %parallel_loop3A_187 {strides = array<i32>} : memref<4096xf32, #tpu.memory_space<vmem>>, vector<16xf32>,
      } {sc.loop_unroll_factor = 8 : i64, sc.parallel_access}
      %mul3A_93 = arith.constant 64 : i32
      %mul3A_94 = arith.muli %scan3A_8, %mul3A_93 : i32
      %add3A_95 = arith.addi %mul3A_94, %add3A_83 : i32
      %dma_start3A_96 = arith.constant 0 : i32
      %dma_start3A_97 = tpu.memref_slice %arg4[%add3A_95, %dma_start3A_96] : memref<1856x16384xf32, #tpu.memory_space<hbm>> -> memref<1x4096xf32, #tpu.memory_space<hbm>>
      %dma_start3A_98 = tpu.memref_squeeze %dma_start3A_97 : memref<1x4096xf32, #tpu.memory_space<hbm>> -> memref<4096xf32, #tpu.memory_space<hbm>>
      %dma_start3A_99 = arith.constant 0 : i32
      %dma_start3A_100 = tpu.memref_slice %arg4[%add3A_95, %dma_start3A_99] : memref<1856x16384xf32, #tpu.memory_space<hbm>> -> memref<1x4096xf32, #tpu.memory_space<hbm>>
      %dma_start3A_101 = tpu.memref_squeeze %dma_start3A_100 : memref<1x4096xf32, #tpu.memory_space<hbm>> -> memref<4096xf32, #tpu.memory_space<hbm>>
      tpu.enqueue_dma source(%arg7 : memref<4096xf32, #tpu.memory_space<vmem>>) target(%dma_start3A_101 : memref<4096xf32, #tpu.memory_space<hbm>>) target_semaphore(%arg10 : memref<!tpu.dma_semaphore, #tpu.memory_space<semaphore_mem>>)
      %dma_wait3A_102 = arith.constant 12288 : i32
      %dma_wait3A_103 = tpu.memref_slice %arg4[%add3A_73, %dma_wait3A_102] : memref<1856x16384xf32, #tpu.memory_space<hbm>> -> memref<1x4096xf32, #tpu.memory_space<hbm>>
      %dma_wait3A_104 = tpu.memref_squeeze %dma_wait3A_103 : memref<1x4096xf32, #tpu.memory_space<hbm>> -> memref<4096xf32, #tpu.memory_space<hbm>>
      %dma_wait3A_105 = arith.constant 12288 : i32
      %dma_wait3A_106 = tpu.memref_slice %arg4[%add3A_73, %dma_wait3A_105] : memref<1856x16384xf32, #tpu.memory_space<hbm>> -> memref<1x4096xf32, #tpu.memory_space<hbm>>
      %dma_wait3A_107 = tpu.memref_squeeze %dma_wait3A_106 : memref<1x4096xf32, #tpu.memory_space<hbm>> -> memref<4096xf32, #tpu.memory_space<hbm>>
      tpu.wait_dma2 semaphore(%arg11 : memref<!tpu.dma_semaphore, #tpu.memory_space<semaphore_mem>>) src(%arg8 : memref<4096xf32, #tpu.memory_space<vmem>>) dst(%dma_wait3A_107 : memref<4096xf32, #tpu.memory_space<hbm>>)
      %parallel_loop3A_108 = arith.constant 0 : i32
      %parallel_loop3A_109 = arith.constant 4096 : i32
      %parallel_loop3A_110 = arith.constant 16 : i32
      scf.for %parallel_loop3A_182 = %parallel_loop3A_108 to %parallel_loop3A_109 step %parallel_loop3A_110  : i32 {
        %parallel_loop3A_183 = arith.constant 4096 : i32
        %parallel_loop3A_184 = arith.addi %parallel_loop3A_183, %parallel_loop3A_182 : i32
        %parallel_loop3A_185 = arith.index_cast %parallel_loop3A_184 : i32 to index
        %parallel_loop3A_186 = tpu.vector_load %arg6[%parallel_loop3A_185] {strides = array<i32>} : memref<16384xi32, #tpu.memory_space<vmem>>, vector<16xi32>,
        %parallel_loop3A_187 = tpu.vector_load_idx %arg5[%parallel_loop3A_186] : memref<100000xf32, #tpu.memory_space<vmem>>[vector<16xi32>], vector<16xf32>,
        %parallel_loop3A_188 = arith.index_cast %parallel_loop3A_182 : i32 to index
        %parallel_loop3A_189 = tpu.vector_load %arg8[%parallel_loop3A_188] {strides = array<i32>} : memref<4096xf32, #tpu.memory_space<vmem>>, vector<16xf32>,
        tpu.vector_store %arg8[%parallel_loop3A_188], %parallel_loop3A_187 {strides = array<i32>} : memref<4096xf32, #tpu.memory_space<vmem>>, vector<16xf32>,
      } {sc.loop_unroll_factor = 8 : i64, sc.parallel_access}
      %mul3A_111 = arith.constant 64 : i32
      %mul3A_112 = arith.muli %scan3A_8, %mul3A_111 : i32
      %add3A_113 = arith.addi %mul3A_112, %add3A_83 : i32
      %dma_start3A_114 = arith.constant 4096 : i32
      %dma_start3A_115 = tpu.memref_slice %arg4[%add3A_113, %dma_start3A_114] : memref<1856x16384xf32, #tpu.memory_space<hbm>> -> memref<1x4096xf32, #tpu.memory_space<hbm>>
      %dma_start3A_116 = tpu.memref_squeeze %dma_start3A_115 : memref<1x4096xf32, #tpu.memory_space<hbm>> -> memref<4096xf32, #tpu.memory_space<hbm>>
      %dma_start3A_117 = arith.constant 4096 : i32
      %dma_start3A_118 = tpu.memref_slice %arg4[%add3A_113, %dma_start3A_117] : memref<1856x16384xf32, #tpu.memory_space<hbm>> -> memref<1x4096xf32, #tpu.memory_space<hbm>>
      %dma_start3A_119 = tpu.memref_squeeze %dma_start3A_118 : memref<1x4096xf32, #tpu.memory_space<hbm>> -> memref<4096xf32, #tpu.memory_space<hbm>>
      tpu.enqueue_dma source(%arg8 : memref<4096xf32, #tpu.memory_space<vmem>>) target(%dma_start3A_119 : memref<4096xf32, #tpu.memory_space<hbm>>) target_semaphore(%arg11 : memref<!tpu.dma_semaphore, #tpu.memory_space<semaphore_mem>>)
      %dma_wait3A_120 = arith.constant 0 : i32
      %dma_wait3A_121 = tpu.memref_slice %arg4[%add3A_95, %dma_wait3A_120] : memref<1856x16384xf32, #tpu.memory_space<hbm>> -> memref<1x4096xf32, #tpu.memory_space<hbm>>
      %dma_wait3A_122 = tpu.memref_squeeze %dma_wait3A_121 : memref<1x4096xf32, #tpu.memory_space<hbm>> -> memref<4096xf32, #tpu.memory_space<hbm>>
      %dma_wait3A_123 = arith.constant 0 : i32
      %dma_wait3A_124 = tpu.memref_slice %arg4[%add3A_95, %dma_wait3A_123] : memref<1856x16384xf32, #tpu.memory_space<hbm>> -> memref<1x4096xf32, #tpu.memory_space<hbm>>
      %dma_wait3A_125 = tpu.memref_squeeze %dma_wait3A_124 : memref<1x4096xf32, #tpu.memory_space<hbm>> -> memref<4096xf32, #tpu.memory_space<hbm>>
      tpu.wait_dma2 semaphore(%arg10 : memref<!tpu.dma_semaphore, #tpu.memory_space<semaphore_mem>>) src(%arg7 : memref<4096xf32, #tpu.memory_space<vmem>>) dst(%dma_wait3A_125 : memref<4096xf32, #tpu.memory_space<hbm>>)
      %parallel_loop3A_126 = arith.constant 0 : i32
      %parallel_loop3A_127 = arith.constant 4096 : i32
      %parallel_loop3A_128 = arith.constant 16 : i32
      scf.for %parallel_loop3A_182 = %parallel_loop3A_126 to %parallel_loop3A_127 step %parallel_loop3A_128  : i32 {
        %parallel_loop3A_183 = arith.constant 8192 : i32
        %parallel_loop3A_184 = arith.addi %parallel_loop3A_183, %parallel_loop3A_182 : i32
        %parallel_loop3A_185 = arith.index_cast %parallel_loop3A_184 : i32 to index
        %parallel_loop3A_186 = tpu.vector_load %arg6[%parallel_loop3A_185] {strides = array<i32>} : memref<16384xi32, #tpu.memory_space<vmem>>, vector<16xi32>,
        %parallel_loop3A_187 = tpu.vector_load_idx %arg5[%parallel_loop3A_186] : memref<100000xf32, #tpu.memory_space<vmem>>[vector<16xi32>], vector<16xf32>,
        %parallel_loop3A_188 = arith.index_cast %parallel_loop3A_182 : i32 to index
        %parallel_loop3A_189 = tpu.vector_load %arg7[%parallel_loop3A_188] {strides = array<i32>} : memref<4096xf32, #tpu.memory_space<vmem>>, vector<16xf32>,
        tpu.vector_store %arg7[%parallel_loop3A_188], %parallel_loop3A_187 {strides = array<i32>} : memref<4096xf32, #tpu.memory_space<vmem>>, vector<16xf32>,
      } {sc.loop_unroll_factor = 8 : i64, sc.parallel_access}
      %mul3A_129 = arith.constant 64 : i32
      %mul3A_130 = arith.muli %scan3A_8, %mul3A_129 : i32
      %add3A_131 = arith.addi %mul3A_130, %add3A_83 : i32
      %dma_start3A_132 = arith.constant 8192 : i32
      %dma_start3A_133 = tpu.memref_slice %arg4[%add3A_131, %dma_start3A_132] : memref<1856x16384xf32, #tpu.memory_space<hbm>> -> memref<1x4096xf32, #tpu.memory_space<hbm>>
      %dma_start3A_134 = tpu.memref_squeeze %dma_start3A_133 : memref<1x4096xf32, #tpu.memory_space<hbm>> -> memref<4096xf32, #tpu.memory_space<hbm>>
      %dma_start3A_135 = arith.constant 8192 : i32
      %dma_start3A_136 = tpu.memref_slice %arg4[%add3A_131, %dma_start3A_135] : memref<1856x16384xf32, #tpu.memory_space<hbm>> -> memref<1x4096xf32, #tpu.memory_space<hbm>>
      %dma_start3A_137 = tpu.memref_squeeze %dma_start3A_136 : memref<1x4096xf32, #tpu.memory_space<hbm>> -> memref<4096xf32, #tpu.memory_space<hbm>>
      tpu.enqueue_dma source(%arg7 : memref<4096xf32, #tpu.memory_space<vmem>>) target(%dma_start3A_137 : memref<4096xf32, #tpu.memory_space<hbm>>) target_semaphore(%arg10 : memref<!tpu.dma_semaphore, #tpu.memory_space<semaphore_mem>>)
      %dma_wait3A_138 = arith.constant 4096 : i32
      %dma_wait3A_139 = tpu.memref_slice %arg4[%add3A_113, %dma_wait3A_138] : memref<1856x16384xf32, #tpu.memory_space<hbm>> -> memref<1x4096xf32, #tpu.memory_space<hbm>>
      %dma_wait3A_140 = tpu.memref_squeeze %dma_wait3A_139 : memref<1x4096xf32, #tpu.memory_space<hbm>> -> memref<4096xf32, #tpu.memory_space<hbm>>
      %dma_wait3A_141 = arith.constant 4096 : i32
      %dma_wait3A_142 = tpu.memref_slice %arg4[%add3A_113, %dma_wait3A_141] : memref<1856x16384xf32, #tpu.memory_space<hbm>> -> memref<1x4096xf32, #tpu.memory_space<hbm>>
      %dma_wait3A_143 = tpu.memref_squeeze %dma_wait3A_142 : memref<1x4096xf32, #tpu.memory_space<hbm>> -> memref<4096xf32, #tpu.memory_space<hbm>>
      tpu.wait_dma2 semaphore(%arg11 : memref<!tpu.dma_semaphore, #tpu.memory_space<semaphore_mem>>) src(%arg8 : memref<4096xf32, #tpu.memory_space<vmem>>) dst(%dma_wait3A_143 : memref<4096xf32, #tpu.memory_space<hbm>>)
      %parallel_loop3A_144 = arith.constant 0 : i32
      %parallel_loop3A_145 = arith.constant 4096 : i32
      %parallel_loop3A_146 = arith.constant 16 : i32
      scf.for %parallel_loop3A_182 = %parallel_loop3A_144 to %parallel_loop3A_145 step %parallel_loop3A_146  : i32 {
        %parallel_loop3A_183 = arith.constant 12288 : i32
        %parallel_loop3A_184 = arith.addi %parallel_loop3A_183, %parallel_loop3A_182 : i32
        %parallel_loop3A_185 = arith.index_cast %parallel_loop3A_184 : i32 to index
        %parallel_loop3A_186 = tpu.vector_load %arg6[%parallel_loop3A_185] {strides = array<i32>} : memref<16384xi32, #tpu.memory_space<vmem>>, vector<16xi32>,
        %parallel_loop3A_187 = tpu.vector_load_idx %arg5[%parallel_loop3A_186] : memref<100000xf32, #tpu.memory_space<vmem>>[vector<16xi32>], vector<16xf32>,
        %parallel_loop3A_188 = arith.index_cast %parallel_loop3A_182 : i32 to index
        %parallel_loop3A_189 = tpu.vector_load %arg8[%parallel_loop3A_188] {strides = array<i32>} : memref<4096xf32, #tpu.memory_space<vmem>>, vector<16xf32>,
        tpu.vector_store %arg8[%parallel_loop3A_188], %parallel_loop3A_187 {strides = array<i32>} : memref<4096xf32, #tpu.memory_space<vmem>>, vector<16xf32>,
      } {sc.loop_unroll_factor = 8 : i64, sc.parallel_access}
      %mul3A_147 = arith.constant 64 : i32
      %mul3A_148 = arith.muli %scan3A_8, %mul3A_147 : i32
      %add3A_149 = arith.addi %mul3A_148, %add3A_83 : i32
      %dma_start3A_150 = arith.constant 12288 : i32
      %dma_start3A_151 = tpu.memref_slice %arg4[%add3A_149, %dma_start3A_150] : memref<1856x16384xf32, #tpu.memory_space<hbm>> -> memref<1x4096xf32, #tpu.memory_space<hbm>>
      %dma_start3A_152 = tpu.memref_squeeze %dma_start3A_151 : memref<1x4096xf32, #tpu.memory_space<hbm>> -> memref<4096xf32, #tpu.memory_space<hbm>>
      %dma_start3A_153 = arith.constant 12288 : i32
      %dma_start3A_154 = tpu.memref_slice %arg4[%add3A_149, %dma_start3A_153] : memref<1856x16384xf32, #tpu.memory_space<hbm>> -> memref<1x4096xf32, #tpu.memory_space<hbm>>
      %dma_start3A_155 = tpu.memref_squeeze %dma_start3A_154 : memref<1x4096xf32, #tpu.memory_space<hbm>> -> memref<4096xf32, #tpu.memory_space<hbm>>
      tpu.enqueue_dma source(%arg8 : memref<4096xf32, #tpu.memory_space<vmem>>) target(%dma_start3A_155 : memref<4096xf32, #tpu.memory_space<hbm>>) target_semaphore(%arg11 : memref<!tpu.dma_semaphore, #tpu.memory_space<semaphore_mem>>)
      %dma_wait3A_156 = arith.constant 8192 : i32
      %dma_wait3A_157 = tpu.memref_slice %arg4[%add3A_131, %dma_wait3A_156] : memref<1856x16384xf32, #tpu.memory_space<hbm>> -> memref<1x4096xf32, #tpu.memory_space<hbm>>
      %dma_wait3A_158 = tpu.memref_squeeze %dma_wait3A_157 : memref<1x4096xf32, #tpu.memory_space<hbm>> -> memref<4096xf32, #tpu.memory_space<hbm>>
      %dma_wait3A_159 = arith.constant 8192 : i32
      %dma_wait3A_160 = tpu.memref_slice %arg4[%add3A_131, %dma_wait3A_159] : memref<1856x16384xf32, #tpu.memory_space<hbm>> -> memref<1x4096xf32, #tpu.memory_space<hbm>>
      %dma_wait3A_161 = tpu.memref_squeeze %dma_wait3A_160 : memref<1x4096xf32, #tpu.memory_space<hbm>> -> memref<4096xf32, #tpu.memory_space<hbm>>
      tpu.wait_dma2 semaphore(%arg10 : memref<!tpu.dma_semaphore, #tpu.memory_space<semaphore_mem>>) src(%arg7 : memref<4096xf32, #tpu.memory_space<vmem>>) dst(%dma_wait3A_161 : memref<4096xf32, #tpu.memory_space<hbm>>)
      %dma_wait3A_162 = arith.constant 12288 : i32
      %dma_wait3A_163 = tpu.memref_slice %arg4[%add3A_149, %dma_wait3A_162] : memref<1856x16384xf32, #tpu.memory_space<hbm>> -> memref<1x4096xf32, #tpu.memory_space<hbm>>
      %dma_wait3A_164 = tpu.memref_squeeze %dma_wait3A_163 : memref<1x4096xf32, #tpu.memory_space<hbm>> -> memref<4096xf32, #tpu.memory_space<hbm>>
      %dma_wait3A_165 = arith.constant 12288 : i32
      %dma_wait3A_166 = tpu.memref_slice %arg4[%add3A_149, %dma_wait3A_165] : memref<1856x16384xf32, #tpu.memory_space<hbm>> -> memref<1x4096xf32, #tpu.memory_space<hbm>>
      %dma_wait3A_167 = tpu.memref_squeeze %dma_wait3A_166 : memref<1x4096xf32, #tpu.memory_space<hbm>> -> memref<4096xf32, #tpu.memory_space<hbm>>
      tpu.wait_dma2 semaphore(%arg11 : memref<!tpu.dma_semaphore, #tpu.memory_space<semaphore_mem>>) src(%arg8 : memref<4096xf32, #tpu.memory_space<vmem>>) dst(%dma_wait3A_167 : memref<4096xf32, #tpu.memory_space<hbm>>)
      %add3A_168 = arith.constant 1 : i32
      %add3A_169 = arith.addi %scan3A_8, %add3A_168 : i32
      %min3A = arith.constant 25 : i32
      %min3A_170 = arith.minsi %add3A_169, %min3A : i32
      %eq3A_171 = arith.constant 0 : i32
      %eq3A_172 = arith.cmpi eq, %arg1, %eq3A_171 : i32
      %add3A_173 = arith.constant 1 : i32
      %add3A_174 = arith.addi %scan3A_8, %add3A_173 : i32
      %lt3A_175 = arith.constant 26 : i32
      %lt3A_176 = arith.cmpi slt, %add3A_174, %lt3A_175 : i32
      %and3A_177 = arith.andi %eq3A_172, %lt3A_176 : i1
      %convert_element_type3A_178 = arith.extui %and3A_177 : i1 to i32
      %cond3A_179 = arith.constant 0 : i32
      %cond3A_180 = arith.cmpi ne, %convert_element_type3A_178, %cond3A_179 : i32
      scf.if %cond3A_180 {
        %add3A_182 = arith.constant 1 : i32
        %add3A_183 = arith.addi %scan3A_8, %add3A_182 : i32
        %jit3A_184 = arith.constant 2 : i32
        %eq3A_185 = arith.constant 0 : i32
        %eq3A_186 = arith.cmpi eq, %jit3A_184, %eq3A_185 : i32
        %jit3A_187 = arith.constant 1 : i32
        %select_n3A_188 = arith.select %eq3A_186, %jit3A_187, %jit3A_184 : i32
        %rem3A_189 = arith.remsi %add3A_183, %select_n3A_188 : i32
        %ne3A_190 = arith.constant 0 : i32
        %ne3A_191 = arith.cmpi ne, %rem3A_189, %ne3A_190 : i32
        %lt3A_192 = arith.constant 0 : i32
        %lt3A_193 = arith.cmpi slt, %rem3A_189, %lt3A_192 : i32
        %lt3A_194 = arith.constant 0 : i32
        %lt3A_195 = arith.cmpi slt, %select_n3A_188, %lt3A_194 : i32
        %ne3A_196 = arith.xori %lt3A_193, %lt3A_195 : i1
        %and3A_197 = arith.andi %ne3A_196, %ne3A_191 : i1
        %add3A_198 = arith.addi %rem3A_189, %select_n3A_188 : i32
        %select_n3A_199 = arith.select %and3A_197, %add3A_198, %rem3A_189 : i32
        %dma_start3A_200 = arith.constant 0 : i32
        %dma_start3A_201 = tpu.memref_slice %arg9[%select_n3A_199, %dma_start3A_200] : memref<2x16384xi32, #tpu.memory_space<vmem_shared>> -> memref<1x16384xi32, #tpu.memory_space<vmem_shared>>
        %dma_start3A_202 = tpu.memref_squeeze %dma_start3A_201 : memref<1x16384xi32, #tpu.memory_space<vmem_shared>> -> memref<16384xi32, #tpu.memory_space<vmem_shared>>
        %dma_start3A_203 = arith.constant 0 : i32
        %dma_start3A_204 = tpu.memref_slice %arg3[%min3A_170, %dma_start3A_203] : memref<26x16384xi32, #tpu.memory_space<hbm>> -> memref<1x16384xi32, #tpu.memory_space<hbm>>
        %dma_start3A_205 = tpu.memref_squeeze %dma_start3A_204 : memref<1x16384xi32, #tpu.memory_space<hbm>> -> memref<16384xi32, #tpu.memory_space<hbm>>
        tpu.enqueue_dma source(%dma_start3A_205 : memref<16384xi32, #tpu.memory_space<hbm>>) target(%dma_start3A_202 : memref<16384xi32, #tpu.memory_space<vmem_shared>>) target_semaphore(%arg12 : memref<!tpu.dma_semaphore, #tpu.memory_space<semaphore_mem>>)
        %dma_wait3A_206 = arith.constant 0 : i32
        %dma_wait3A_207 = tpu.memref_slice %arg9[%select_n3A_199, %dma_wait3A_206] : memref<2x16384xi32, #tpu.memory_space<vmem_shared>> -> memref<1x16384xi32, #tpu.memory_space<vmem_shared>>
        %dma_wait3A_208 = tpu.memref_squeeze %dma_wait3A_207 : memref<1x16384xi32, #tpu.memory_space<vmem_shared>> -> memref<16384xi32, #tpu.memory_space<vmem_shared>>
        %dma_wait3A_209 = arith.constant 0 : i32
        %dma_wait3A_210 = tpu.memref_slice %arg3[%min3A_170, %dma_wait3A_209] : memref<26x16384xi32, #tpu.memory_space<hbm>> -> memref<1x16384xi32, #tpu.memory_space<hbm>>
        %dma_wait3A_211 = tpu.memref_squeeze %dma_wait3A_210 : memref<1x16384xi32, #tpu.memory_space<hbm>> -> memref<16384xi32, #tpu.memory_space<hbm>>
        tpu.wait_dma2 semaphore(%arg12 : memref<!tpu.dma_semaphore, #tpu.memory_space<semaphore_mem>>) src(%dma_wait3A_211 : memref<16384xi32, #tpu.memory_space<hbm>>) dst(%dma_wait3A_208 : memref<16384xi32, #tpu.memory_space<vmem_shared>>)
      } else {
      }
      %barrier3A_181 = arith.constant 0 : index
      tpu.barrier barrier_id(%barrier3A_181)
    }
    %scan3A_7 = arith.constant 26 : i32
    return
  }
}

module attributes {stable_mosaic.version = 14 : i64} {
  func.func @body(%arg0: i32, %arg1: i32, %arg2: memref<64x8192xf32, #tpu.memory_space<vmem>>, %arg3: memref<1856x16384xf32, #tpu.memory_space<any>>, %arg4: memref<64x8192xf32, #tpu.memory_space<vmem>>) attributes {dimension_semantics = [#tpu.dimension_semantics<arbitrary>, #tpu.dimension_semantics<arbitrary>], iteration_bounds = array<i64: 2, 3>, scalar_prefetch = 0 : i64, scratch_operands = 0 : i64, tpu.core_type = #tpu.core_type<tc>, window_params = [{transform_indices = @transform_0, window_bounds = array<i64: 64, 8192>}, {}, {transform_indices = @transform_2, window_bounds = array<i64: 64, 8192>}]} {
    %get3A = arith.constant 0 : index
    %get3A_0 = arith.constant 0 : index
    %get3A_1 = vector.load %arg2[%get3A, %get3A_0] : memref<64x8192xf32, #tpu.memory_space<vmem>>, vector<64x8192xf32>
    %swap3A = arith.constant 0 : index
    %swap3A_2 = arith.constant 0 : index
    %swap3A_3 = vector.load %arg4[%swap3A, %swap3A_2] : memref<64x8192xf32, #tpu.memory_space<vmem>>, vector<64x8192xf32>
    tpu.vector_store %arg4[%swap3A, %swap3A_2], %get3A_1 {strides = array<i32>} : memref<64x8192xf32, #tpu.memory_space<vmem>>, vector<64x8192xf32>,
    return
  }
  func.func @transform_0(%arg0: i32, %arg1: i32) -> (i32, i32) {
    %c0_i32 = arith.constant 0 : i32
    return %arg1, %arg0 : i32, i32
  }
  func.func @transform_2(%arg0: i32, %arg1: i32) -> (i32, i32) {
    %add3A = arith.constant 26 : i32
    %add3A_0 = arith.addi %add3A, %arg1 : i32
    %c0_i32 = arith.constant 0 : i32
    return %add3A_0, %arg0 : i32, i32
  }
}

module attributes {stable_mosaic.version = 14 : i64} {
  func.func @_proj_body(%arg0: i32, %arg1: memref<13x2048xf32, #tpu.memory_space<vmem>>, %arg2: memref<2048x768xf32, #tpu.memory_space<vmem>>, %arg3: memref<2048x768xf32, #tpu.memory_space<vmem>>, %arg4: memref<13x64xf32, #tpu.memory_space<vmem>>, %arg5: memref<64x768xf32, #tpu.memory_space<vmem>>, %arg6: memref<64x768xf32, #tpu.memory_space<vmem>>, %arg7: memref<64x1xf32, #tpu.memory_space<vmem>>, %arg8: memref<64x1xf32, #tpu.memory_space<vmem>>, %arg9: memref<64x1xf32, #tpu.memory_space<vmem>>, %arg10: memref<192x2048xf32, #tpu.memory_space<vmem>>) attributes {dimension_semantics = [#tpu.dimension_semantics<arbitrary>], iteration_bounds = array<i64: 8>, scalar_prefetch = 0 : i64, scratch_operands = 0 : i64, tpu.core_type = #tpu.core_type<tc>, window_params = [{transform_indices = @transform_0, window_bounds = array<i64: 13, 2048>}, {transform_indices = @transform_1, window_bounds = array<i64: 2048, 768>}, {transform_indices = @transform_2, window_bounds = array<i64: 2048, 768>}, {pipeline_mode = #tpu.pipeline_mode<synchronous>, transform_indices = @transform_3, window_bounds = array<i64: 13, 64>}, {pipeline_mode = #tpu.pipeline_mode<synchronous>, transform_indices = @transform_4, window_bounds = array<i64: 64, 768>}, {pipeline_mode = #tpu.pipeline_mode<synchronous>, transform_indices = @transform_5, window_bounds = array<i64: 64, 768>}, {pipeline_mode = #tpu.pipeline_mode<synchronous>, transform_indices = @transform_6, window_bounds = array<i64: 64, 1>}, {pipeline_mode = #tpu.pipeline_mode<synchronous>, transform_indices = @transform_7, window_bounds = array<i64: 64, 1>}, {pipeline_mode = #tpu.pipeline_mode<synchronous>, transform_indices = @transform_8, window_bounds = array<i64: 64, 1>}, {transform_indices = @transform_9, window_bounds = array<i64: 192, 2048>}]} {
    %get3A = arith.constant 0 : index
    %get3A_0 = arith.constant 0 : index
    %get3A_1 = vector.load %arg4[%get3A, %get3A_0] : memref<13x64xf32, #tpu.memory_space<vmem>>, vector<13x64xf32>
    %get3A_2 = arith.constant 0 : index
    %get3A_3 = arith.constant 0 : index
    %get3A_4 = vector.load %arg1[%get3A_2, %get3A_3] : memref<13x2048xf32, #tpu.memory_space<vmem>>, vector<13x2048xf32>
    %dot_general3A = arith.constant dense<0.000000e+00> : vector<64x2048xf32>
    %dot_general3A_5 = tpu.matmul %get3A_1, %get3A_4, %dot_general3A {dimension_numbers = #tpu.dot_dimension_numbers<[0], [0], [1], [1], [0, 1, 1, 1], [], []>, transpose_lhs_hint = false} : vector<13x64xf32>, vector<13x2048xf32>, vector<64x2048xf32> -> vector<64x2048xf32>
    %get3A_6 = arith.constant 0 : index
    %get3A_7 = arith.constant 0 : index
    %get3A_8 = vector.load %arg7[%get3A_6, %get3A_7] : memref<64x1xf32, #tpu.memory_space<vmem>>, vector<64x1xf32>
    %add3A = vector.broadcast %get3A_8 : vector<64x1xf32> to vector<64x2048xf32>
    %add3A_9 = arith.addf %dot_general3A_5, %add3A : vector<64x2048xf32>
    %swap3A = arith.constant 0 : index
    %swap3A_10 = arith.constant 0 : index
    %swap3A_11 = vector.load %arg10[%swap3A, %swap3A_10] : memref<192x2048xf32, #tpu.memory_space<vmem>>, vector<64x2048xf32>
    tpu.vector_store %arg10[%swap3A, %swap3A_10], %add3A_9 {strides = array<i32>} : memref<192x2048xf32, #tpu.memory_space<vmem>>, vector<64x2048xf32>,
    %get3A_12 = arith.constant 0 : index
    %get3A_13 = arith.constant 0 : index
    %get3A_14 = vector.load %arg5[%get3A_12, %get3A_13] : memref<64x768xf32, #tpu.memory_space<vmem>>, vector<64x768xf32>
    %get3A_15 = arith.constant 0 : index
    %get3A_16 = arith.constant 0 : index
    %get3A_17 = vector.load %arg2[%get3A_15, %get3A_16] : memref<2048x768xf32, #tpu.memory_space<vmem>>, vector<2048x768xf32>
    %dot_general3A_18 = arith.constant dense<0.000000e+00> : vector<64x2048xf32>
    %dot_general3A_19 = tpu.matmul %get3A_14, %get3A_17, %dot_general3A_18 {dimension_numbers = #tpu.dot_dimension_numbers<[1], [1], [0], [0], [0, 0, 1, 0], [], []>, transpose_lhs_hint = false} : vector<64x768xf32>, vector<2048x768xf32>, vector<64x2048xf32> -> vector<64x2048xf32>
    %get3A_20 = arith.constant 0 : index
    %get3A_21 = arith.constant 0 : index
    %get3A_22 = vector.load %arg8[%get3A_20, %get3A_21] : memref<64x1xf32, #tpu.memory_space<vmem>>, vector<64x1xf32>
    %add3A_23 = vector.broadcast %get3A_22 : vector<64x1xf32> to vector<64x2048xf32>
    %add3A_24 = arith.addf %dot_general3A_19, %add3A_23 : vector<64x2048xf32>
    %swap3A_25 = arith.constant 64 : index
    %swap3A_26 = arith.constant 0 : index
    %swap3A_27 = vector.load %arg10[%swap3A_25, %swap3A_26] : memref<192x2048xf32, #tpu.memory_space<vmem>>, vector<64x2048xf32>
    tpu.vector_store %arg10[%swap3A_25, %swap3A_26], %add3A_24 {strides = array<i32>} : memref<192x2048xf32, #tpu.memory_space<vmem>>, vector<64x2048xf32>,
    %get3A_28 = arith.constant 0 : index
    %get3A_29 = arith.constant 0 : index
    %get3A_30 = vector.load %arg6[%get3A_28, %get3A_29] : memref<64x768xf32, #tpu.memory_space<vmem>>, vector<64x768xf32>
    %get3A_31 = arith.constant 0 : index
    %get3A_32 = arith.constant 0 : index
    %get3A_33 = vector.load %arg3[%get3A_31, %get3A_32] : memref<2048x768xf32, #tpu.memory_space<vmem>>, vector<2048x768xf32>
    %dot_general3A_34 = arith.constant dense<0.000000e+00> : vector<64x2048xf32>
    %dot_general3A_35 = tpu.matmul %get3A_30, %get3A_33, %dot_general3A_34 {dimension_numbers = #tpu.dot_dimension_numbers<[1], [1], [0], [0], [0, 0, 1, 0], [], []>, transpose_lhs_hint = false} : vector<64x768xf32>, vector<2048x768xf32>, vector<64x2048xf32> -> vector<64x2048xf32>
    %get3A_36 = arith.constant 0 : index
    %get3A_37 = arith.constant 0 : index
    %get3A_38 = vector.load %arg9[%get3A_36, %get3A_37] : memref<64x1xf32, #tpu.memory_space<vmem>>, vector<64x1xf32>
    %add3A_39 = vector.broadcast %get3A_38 : vector<64x1xf32> to vector<64x2048xf32>
    %add3A_40 = arith.addf %dot_general3A_35, %add3A_39 : vector<64x2048xf32>
    %swap3A_41 = arith.constant 128 : index
    %swap3A_42 = arith.constant 0 : index
    %swap3A_43 = vector.load %arg10[%swap3A_41, %swap3A_42] : memref<192x2048xf32, #tpu.memory_space<vmem>>, vector<64x2048xf32>
    tpu.vector_store %arg10[%swap3A_41, %swap3A_42], %add3A_40 {strides = array<i32>} : memref<192x2048xf32, #tpu.memory_space<vmem>>, vector<64x2048xf32>,
    return
  }
  func.func @transform_0(%arg0: i32) -> (i32, i32) {
    %c0_i32 = arith.constant 0 : i32
    %c0_i32_0 = arith.constant 0 : i32
    return %c0_i32, %arg0 : i32, i32
  }
  func.func @transform_1(%arg0: i32) -> (i32, i32) {
    %c0_i32 = arith.constant 0 : i32
    %c0_i32_0 = arith.constant 0 : i32
    return %arg0, %c0_i32 : i32, i32
  }
  func.func @transform_2(%arg0: i32) -> (i32, i32) {
    %c0_i32 = arith.constant 0 : i32
    %c0_i32_0 = arith.constant 0 : i32
    return %arg0, %c0_i32 : i32, i32
  }
  func.func @transform_3(%arg0: i32) -> (i32, i32) {
    %c0_i32 = arith.constant 0 : i32
    %c0_i32_0 = arith.constant 0 : i32
    %c0_i32_1 = arith.constant 0 : i32
    return %c0_i32, %c0_i32_0 : i32, i32
  }
  func.func @transform_4(%arg0: i32) -> (i32, i32) {
    %c0_i32 = arith.constant 0 : i32
    %c0_i32_0 = arith.constant 0 : i32
    %c0_i32_1 = arith.constant 0 : i32
    return %c0_i32, %c0_i32_0 : i32, i32
  }
  func.func @transform_5(%arg0: i32) -> (i32, i32) {
    %c0_i32 = arith.constant 0 : i32
    %c0_i32_0 = arith.constant 0 : i32
    %c0_i32_1 = arith.constant 0 : i32
    return %c0_i32, %c0_i32_0 : i32, i32
  }
  func.func @transform_6(%arg0: i32) -> (i32, i32) {
    %c0_i32 = arith.constant 0 : i32
    %c0_i32_0 = arith.constant 0 : i32
    %c0_i32_1 = arith.constant 0 : i32
    return %c0_i32, %c0_i32_0 : i32, i32
  }
  func.func @transform_7(%arg0: i32) -> (i32, i32) {
    %c0_i32 = arith.constant 0 : i32
    %c0_i32_0 = arith.constant 0 : i32
    %c0_i32_1 = arith.constant 0 : i32
    return %c0_i32, %c0_i32_0 : i32, i32
  }
  func.func @transform_8(%arg0: i32) -> (i32, i32) {
    %c0_i32 = arith.constant 0 : i32
    %c0_i32_0 = arith.constant 0 : i32
    %c0_i32_1 = arith.constant 0 : i32
    return %c0_i32, %c0_i32_0 : i32, i32
  }
  func.func @transform_9(%arg0: i32) -> (i32, i32) {
    %c0_i32 = arith.constant 0 : i32
    %c0_i32_0 = arith.constant 0 : i32
    return %c0_i32, %arg0 : i32, i32
  }
}

</mosaic_0001>

<sc_bundles>
// kernel: kernel.5.cloned.1.call-start
scs
__scs_entry_jumppad:
0x0: {  	(pc) =	sbr.rel $0x88, $3  }
0x1: {  	(tag) =	ssettag $0x0;
	lr =	simm.s32 $0x1  }
0x2: {  	[smem:$0x3F96] =	sst lr;
	_ =	strace $0xD0000000  }
0x3: {  	_ = 	snop  }
0x4: {  	_ = 	snop  }
0x5: {  	_ = 	snop  }
0x6: {  	_ = 	snop  }
0x7: {  	_ = 	snop  }
__scs_overlays_trampoline_lowered:
0x8: {  	[smem:$0x3FA5] =	sst s0  }
0x9: {  	[smem:$0x3FA6] =	sst s1  }
0xa: {  	[smem:$0x3FA7] =	sst s2  }
0xb: {  	[smem:$0x3FA8] =	sst s3  }
0xc: {  	[smem:$0x3FA9] =	sst s4  }
0xd: {  	[smem:$0x3FAA] =	sst s5  }
0xe: {  	[smem:$0x3FAB] =	sst s6  }
0xf: {  	[smem:$0x3FAC] =	sst s7  }
0x10: {  	[smem:$0x3FAD] =	sst s8  }
0x11: {  	[smem:$0x3FAE] =	sst s9;
	s0 =	simm.s32 @!p0 $0x0  }
0x12: {  	s1 =	sld [smem:$0x3F94];
	s0 =	simm.s32 @p0 $0x1  }
0x13: {  	[smem:$0x3FAF] =	sst s0;
	s0 =	simm.s32 @!p1 $0x0  }
0x14: {  	s2 =	sld [smem:$0x3F93];
	s0 =	simm.s32 @p1 $0x1  }
0x15: {  	[smem:$0x3FB0] =	sst s0;
	s0 =	simm.s32 @!p2 $0x0  }
0x16: {  	s3 =	sld [smem:$0x3FDB];
	s0 =	simm.s32 @p2 $0x1  }
0x17: {  	s4 =	simm.s32 $0x1BF5;
	[smem:$0x3FB2] =	sst s0  }
0x18: {  	s0 =	sld [smem:$0x3F95];
	_ =	swait.ge [sflag:s4], $0x0  }
0x19: {  	s7 =	sld [smem:$0x3F96]  }
0x1a: {  	s8 =	sadd.s32 $0xFFFFE003, lr  }
0x1b: {  	s9 =	sadd.s32 $0xFFFFFEF7, lr;
	s5 =	simm.s32 $0xFFFFFFFF;
	p2 =	slt.u32 s8, $0xFFFFF086  }
0x1c: {  	p1 =	slt.u32 s9, $0xF7A;
	s5 =	simm.s32 @!p2 $0x0  }
0x1d: {  	s5 =	simm.s32 @p1 $0x1;
	p0 =	seq.s32 s7, s2  }
0x1e: {  	s7 =	smul.u32 @!p0 $0xF7A, s2;
	p2 =	seq.s32 @!p0 s5, $0x0  }
0x1f: {  	s9 =	smul.u32 $0xF7A, s1;
	s8 =	simm.s32 @!p0 $0x1BF5;
	p2 =	por !p2, p0  }
0x20: {  	[sflag:s8] =	ssyncset.s32 @!p0 $0xFFFFF086;
	s6 =	sadd.s32 @!p0 s3, s7;
	s7 =	simm.s32 @!p0 $0x108  }
0x21: {  	s3 =	sadd.s32 s3, s9;
	s6 =	sadd.s32 @!p0 $0x88, s6;
	s7 =	simm.s32 @p2 $0x1082  }
0x22: {  	[simem:s7], [sflag:s8] =	dma.local @!p0 [hbm:s6], $0xF7A  }
0x23: {  	s9 =	sor.u32 $0xD0000000, s2;
	s6 =	simm.s32 $0x108;
	_ =	swait.ge @!p0 [sflag:s8], $0x0  }
0x24: {  	s3 =	sadd.s32 $0x88, s3;
	s6 =	simm.s32 @!p1 $0x1082;
	[sflag:s4] =	ssyncset.s32 $0xFFFFF086  }
0x25: {  	[simem:s6], [sflag:s4] =	dma.local [hbm:s3], $0xF7A  }
0x26: {  	[smem:$0x3F96] =	sst s1;
	(tag) =	ssettag s2;
	_ =	strace s9  }
0x27: {  	s1 =	sld [smem:$0x3FA6]  }
0x28: {  	s2 =	sld [smem:$0x3FA7]  }
0x29: {  	s4 =	sld [smem:$0x3FA9]  }
0x2a: {  	p0 =	seq.s32 s5, $0x0;
	s5 =	sld [smem:$0x3FAA]  }
0x2b: {  	s6 =	sld [smem:$0x3FAB]  }
0x2c: {  	s7 =	sld [smem:$0x3FAC]  }
0x2d: {  	s3 =	simm.s32 $0x108;
	s8 =	sld [smem:$0x3FAD]  }
0x2e: {  	s3 =	simm.s32 @!p0 $0x1082;
	s9 =	sld [smem:$0x3FAE]  }
0x2f: {  	lr =	sadd.s32 s0, s3;
	s0 =	sld [smem:$0x3FA5]  }
0x30: {  	s3 =	sld [smem:$0x3FA8]  }
0x31: {  	[smem:$0x3FB1] =	sst s10  }
0x32: {  	s10 =	sld [smem:$0x3FAF];
	_ =	sdelay $0x3  }
0x33: {  	p0 =	seq.s32 s10, $0x1;
	s10 =	sld [smem:$0x3FB1];
	_ =	sdelay $0x3  }
0x34: {  	[smem:$0x3FB1] =	sst s10  }
0x35: {  	s10 =	sld [smem:$0x3FB0];
	_ =	sdelay $0x3  }
0x36: {  	p1 =	seq.s32 s10, $0x1;
	s10 =	sld [smem:$0x3FB1];
	_ =	sdelay $0x3  }
0x37: {  	[smem:$0x3FB1] =	sst s10  }
0x38: {  	s10 =	sld [smem:$0x3FB2]  }
0x39: {  	_ = 	snop;
	(pc) =	sbr.ind lr, $3  }
0x3a: {  	_ = 	snop  }
0x3b: {  	_ = 	snop  }
0x3c: {  	p2 =	seq.s32 s10, $0x1;
	s10 =	sld [smem:$0x3FB1]  }
0x3d: {  	_ =	shalt  }
0x3e: {  	_ =	shalt  }
0x3f: {  	_ =	shalt  }
0x40: {  	_ =	shalt  }
0x41: {  	_ =	shalt  }
0x42: {  	_ =	shalt  }
0x43: {  	_ =	shalt  }
0x44: {  	_ =	shalt  }
0x45: {  	_ =	shalt  }
0x46: {  	_ =	shalt  }
0x47: {  	_ =	shalt  }
0x48: {  	_ =	shalt  }
0x49: {  	_ =	shalt  }
0x4a: {  	_ =	shalt  }
0x4b: {  	_ =	shalt  }
0x4c: {  	_ =	shalt  }
0x4d: {  	_ =	shalt  }
0x4e: {  	_ =	shalt  }
0x4f: {  	_ =	shalt  }
0x50: {  	_ =	shalt  }
0x51: {  	_ =	shalt  }
0x52: {  	_ =	shalt  }
0x53: {  	_ =	shalt  }
0x54: {  	_ =	shalt  }
0x55: {  	_ =	shalt  }
0x56: {  	_ =	shalt  }
0x57: {  	_ =	shalt  }
0x58: {  	_ =	shalt  }
0x59: {  	_ =	shalt  }
0x5a: {  	_ =	shalt  }
0x5b: {  	_ =	shalt  }
0x5c: {  	_ =	shalt  }
0x5d: {  	_ =	shalt  }
0x5e: {  	_ =	shalt  }
0x5f: {  	_ =	shalt  }
0x60: {  	_ =	shalt  }
0x61: {  	_ =	shalt  }
0x62: {  	_ =	shalt  }
0x63: {  	_ =	shalt  }
0x64: {  	_ =	shalt  }
0x65: {  	_ =	shalt  }
0x66: {  	_ =	shalt  }
0x67: {  	_ =	shalt  }
0x68: {  	_ =	shalt  }
0x69: {  	_ =	shalt  }
0x6a: {  	_ =	shalt  }
0x6b: {  	_ =	shalt  }
0x6c: {  	_ =	shalt  }
0x6d: {  	_ =	shalt  }
0x6e: {  	_ =	shalt  }
0x6f: {  	_ =	shalt  }
0x70: {  	_ =	shalt  }
0x71: {  	_ =	shalt  }
0x72: {  	_ =	shalt  }
0x73: {  	_ =	shalt  }
0x74: {  	_ =	shalt  }
0x75: {  	_ =	shalt  }
0x76: {  	_ =	shalt  }
0x77: {  	_ =	shalt  }
0x78: {  	_ =	shalt  }
0x79: {  	_ =	shalt  }
0x7a: {  	_ =	shalt  }
0x7b: {  	_ =	shalt  }
0x7c: {  	_ =	shalt  }
0x7d: {  	_ =	shalt  }
0x7e: {  	_ =	shalt  }
0x7f: {  	_ =	shalt  }
0x80: {  	_ =	shalt  }
0x81: {  	_ =	shalt  }
0x82: {  	_ =	shalt  }
0x83: {  	_ =	shalt  }
0x84: {  	_ =	shalt  }
0x85: {  	_ =	shalt  }
0x86: {  	_ =	shalt  }
0x87: {  	_ =	shalt  }
.Lfunc_end0:
.L_simem_size_0:
called_computation_lowered:
.L_overlay_start_0:
0x88: {  	s2 =	sld [smem:$0x3FD9]  }
0x89: {  	s3 =	sld [smem:$0x3FFE];
	_ =	sdelay $0x1  }
0x8a: {  	s1 =	srdreg.scid  }
0x8b: {  	s0 =	sand.u32 $0x1, s1  }
0x8c: {  	s18 =	sshll.u32 s0, $0xA;
	s2 =	sadd.s32 s3, s2  }
0x8d: {  	s2 =	sadd.s32 s2, s18  }
0x8e: {  	[smem:$0x3FBD] =	sst s2  }
0x8f: {  	_ = 	snop  }
0x90: {  	s2 =	sld [smem:$0x3FC8]  }
0x91: {  	s19 =	sld [smem:$0x3FC5]  }
0x92: {  	s4 =	sld [smem:$0x3FD0];
	(tm) =	ssettm $0x1  }
0x93: {  	s5 =	sld [smem:$0x3FFB];
	_ =	sdelay $0x3  }
0x94: {  	_ =	strace s5  }
0x95: {  	s5 =	sld [smem:$0x3FFC];
	_ =	sdelay $0x3  }
0x96: {  	_ =	strace s5  }
0x97: {  	s5 =	sld [smem:$0x3FFD];
	_ =	sdelay $0x3  }
0x98: {  	_ =	strace s5  }
0x99: {  	_ =	strace $0x8FFFFFFF  }
0x9a: {  	s20 =	sld [smem:$0x3FDB];
	_ =	sdelay $0x1  }
0x9b: {  	s6 =	simm.s32 $_scs_section_size  }
0x9c: {  	s7 =	simm.s32 $_size__tile_overlayer_lowered;
	s8 =	simm.s32 $_tile_overlayer_lowered  }
0x9d: {  	s23 =	simm.s32 $0x1BFF;
	s22 =	sshll.u32 s8, $0x1;
	s5 =	sadd.s32 s6, s20  }
0x9e: {  	s9 =	simm.s32 $0x0;
	s21 =	sshll.u32 s7, $0x1;
	s7 =	sadd.s32 s22, s5  }
0x9f: {  	[timem:s9], [sflag:s23] =	dma.local [hbm:s7], s21  }
0xa0: {  	_ =	swait.ge [sflag:s23], s21  }
0xa1: {  	s6 =	ssub.s32 $0x0, s21;
	[sflag:s23] =	ssyncset.done $0x0  }
0xa2: {  	[sflag:s23] =	ssyncadd.s32 s6;
	_ =	sdelay $0x1  }
0xa3: {  	s24 =	simm.s32 $0x1B8B  }
0xa4: {  	_ =	swait.ge [sflag:s24], $0x1  }
0xa5: {  	[sflag:s24] =	ssyncset.done $0x0  }
0xa6: {  	s25 =	simm.s32 $0x1B8E;
	[sflag:s24] =	ssyncadd.s32 $0xFFFFFFFF  }
0xa7: {  	s26 =	simm.s32 $execute0_lowered;
	[smem:$0x3FD2] =	sst s25  }
0xa8: {  	s6 =	sshll.u32 s26, $0x1;
	_ =	strace $0x80000046;
	[dreg:$0x1] =	wrdreg $0xFFFFFFFF  }
0xa9: {  	s28 =	simm.s32 $_size_execute0_lowered;
	s5 =	sadd.s32 s5, s6;
	[dreg:$0x0] =	wrdreg $0x0  }
0xaa: {  	s6 =	sshll.u32 s28, $0x1;
	[dreg:$0x2] =	wrdreg s5  }
0xab: {  	[dreg:$0x3] =	wrdreg s6  }
0xac: {  	[dreg:$0x4] =	wrdreg $0xC0  }
0xad: {  	_ =	task [dreg:s9], $0x5FFFF  }
0xae: {  	[dreg:$0x1] =	wrdreg $0xFFFFFFFF  }
0xaf: {  	[dreg:$0x0] =	wrdreg $0x60  }
0xb0: {  	[dreg:$0x2] =	wrdreg s19  }
0xb1: {  	[dreg:$0x3] =	wrdreg s2  }
0xb2: {  	[dreg:$0x4] =	wrdreg s4  }
0xb3: {  	[dreg:$0x5] =	wrdreg $0x1E7000  }
0xb4: {  	[dreg:$0x6] =	wrdreg $0x9  }
0xb5: {  	_ =	task.clear_ibuf [dreg:s9], $0x7FFFF;
	_ =	strace $0x90000046  }
0xb6: {  	s29 =	simm.s32 $0x9;
	_ =	strace $0x80000048  }
0xb7: {  	_ =	swait.ge [sflag:s29], $0x1  }
0xb8: {  	[sflag:s29] =	ssyncadd.s32 $0xFFFFFFFF  }
0xb9: {  	_ =	strace $0x90000048  }
0xba: {  	_ =	sfence  }
0xbb: {  	s30 =	sld [smem:$0x0];
	_ =	sdelay $0x2  }
0xbc: {  	s31 =	sshll.u32 s1, $0xD;
	s1 =	sshrl.u32 s1, $0x2  }
0xbd: {  	s3 =	sand.u32 $0x4000, s31;
	s1 =	sadd.s32 s1, s30  }
0xbe: {  	s0 =	sor.u32 s3, s0;
	s1 =	sshll.u32 s1, $0x11  }
0xbf: {  	s0 =	sor.u32 s1, s0  }
0xc0: {  	s0 =	sadd.s32 $0x8F2B, s0  }
0xc1: {  	[sflag:s0] =	ssyncadd.remote.s32 $0x1  }
0xc2: {  	_ =	sfence.sel $0xFFFF  }
0xc3: {  	[dreg:$0x0] =	wrdreg $0xFFFFFFFF;
	(pc) =	sbr.abs _section_cstart, $3  }
0xc4: {  	[dreg:$0x1] =	wrdreg $0xFFFFFFFF  }
0xc5: {  	_ =	task.clear_ibuf [dreg:s9], $0x2FFFF;
	_ =	strace $0x9FFFFFFF  }
0xc6: {  	(tm) =	ssettm $0x7FFFFFFF  }
0xc7: {  	_ =	shalt  }
tec
execute0_lowered:
.L_overlay_start_1:
0x0: {  	(tag) =	ssettag $0x1  }
0x1: {  	s1 =	rddreg [dreg:$0x0]  }
0x2: {  	s2 =	rddreg [dreg:$0x1]  }
0x3: {  	s3 =	rddreg [dreg:$0x2]  }
0x4: {  	s4 =	rddreg [dreg:$0x3];
	s0 =	srdreg.scid;
	s5 =	simm.s32 $0x0  }
0x5: {  	s13 =	stileid.u32;
	s15 =	simm.s32 $0x80;
	s16 =	simm.s32 $0x100  }
0x6: {  	s17 =	simm.s32 $0x18700;
	s18 =	simm.s32 $0x4;
	s19 =	simm.s32 $0x400  }
0x7: {  	s20 =	simm.s32 $0x1C700;
	s21 =	simm.s32 $0x1D700;
	s22 =	simm.s32 $0x1  }
0x8: {  	s23 =	simm.s32 $0x2;
	s24 =	simm.s32 $0x0;
	s0 =	sand.u32 $0x1, s0  }
0x9: {  	[smem:$0x7FF] =	sst s5;
	s7 =	sshll.u32 s13, $0x1;
	s9 =	sshll.u32 s13, $0x8  }
0xa: {  	s10 =	sadd.s32 $0x2000, s3;
	s12 =	sadd.s32 $0x3000, s3;
	p0 =	sne.s32 s13, $0x0  }
0xb: {  	s6 =	sshll.u32 s0, $0x5;
	_ =	strace $0x80000047;
	s0 =	ssub.s32 $0x2, s0  }
0xc: {  	s14 =	sshrl.u32 @!p0 s4, $0x3;
	s8 =	sor.u32 s7, s6;
	s31 =	sshrl.u32 s0, $0x1  }
0xd: {  	s7 =	sshrl.u32 s8, $0x3;
	s0 =	ssub.s32 s0, s31;
	s8 =	sshll.u32 s8, $0xE  }
0xe: {  	s6 =	smul.u32 $0xC3800, s7;
	s7 =	sand.u32 $0x300, s9;
	s0 =	smax.u32 s0, $0x1  }
0xf: {  	s9 =	sadd.s32 $0x1000, s3;
	s11 =	sor.u32 $0x80, s7;
	[dreg:$0x5] =	wrdreg s0  }
.LBB2_1:
0x10: {  	s0 =	simm.s32 @!p0 $0x1  }
0x11: {  	s13 =	simm.s32 @!p0 $0x20;
	s25 =	simm.s32 @!p0 $0x80;
	s26 =	simm.s32 @!p0 $0x1C04  }
0x12: {  	[spmem:s14@s13], [sflag:s26] =	dma.strided @!p0 [hbm:s2@s25], $0x800, s0, $0x10   }
0x13: {  	s0 =	simm.s32 @!p0 $0x4  }
0x14: {  	_ =	swait.ge @!p0 [sflag:s0], $0x800  }
0x15: {  	[sflag:s0] =	ssyncset.done @!p0 $0x0  }
0x16: {  	[sflag:s0] =	ssyncadd.s32 @!p0 $0xFFFFF800  }
0x17: {  	s25 =	simm.s32 $0x0;
	[bflag:$0x0] =	sbarrier.arrive $0xFFFF  }
.LBB2_2:
0x18: {  	s0 =	sshll.u32 s25, $0x7;
	s13 =	smul.u32 $0x61C000, s25  }
0x19: {  	s0 =	sand.u32 $0x80, s0  }
0x1a: {  	s0 =	sadd.s32 s0, s4;
	s26 =	sadd.s32 s6, s13  }
0x1b: {  	[tilespmem:s17], [sflag:$0x4] =	stream.strided.gather [spmem:s0], $0x4000, s16, s15, $0x38;
	[tilespmem:$0x1EF00] =	vst v63  }
0x1c: {  	s29 =	sor.u32 s7, s26;
	_ =	swait.ge [sflag:s18], $0x4000  }
0x1d: {  	s0 =	sshrl.u32 s29, $0x3;
	[sflag:s18] =	ssyncset.done $0x0  }
0x1e: {  	s0 =	sadd.s32 s1, s0;
	[sflag:s18] =	ssyncadd.s32 $0xFFFFC000  }
0x1f: {  	[tilespmem:s5], [sflag:$0x4] =	stream.strided.gather [hbm4b:s0+s15], $0x18700, s19, s15, $0x38;
	[tilespmem:$0x1EF00] =	vst v63  }
0x20: {  	_ =	swait.ge [sflag:s18], $0x18700  }
0x21: {  	[sflag:s18] =	ssyncset.done $0x0  }
0x22: {  	s30 =	simm.s32 $0x18740;
	[sflag:s18] =	ssyncadd.s32 $0xFFFE7900  }
0x23: {  	v0 =	vld [tilespmem:s30+$0x30]  }
0x24: {  	v1 =	vld [tilespmem:s30+$0xFFFFFFD0]  }
0x25: {  	v2 =	vld [tilespmem:s30+$0xFFFFFFE0]  }
0x26: {  	v3 =	vld [tilespmem:s30+$0xFFFFFFF0]  }
0x27: {  	v6 =	vld [tilespmem:s30+$0x0]  }
0x28: {  	v7 =	vld [tilespmem:s30+$0x10]  }
0x29: {  	v8 =	vld [tilespmem:s30+$0x20]  }
0x2a: {  	v9 =	vld [tilespmem:s30+$0xFFFFFFC0]  }
0x2b: {  	v10 =	vld.idx.msk [tilespmem:v0+s5+$0x0], $0xffff  }
0x2c: {  	v11 =	vld.idx.msk [tilespmem:v1+s5+$0x0], $0xffff  }
0x2d: {  	v5 =	vld.idx.msk [tilespmem:v2+s5+$0x0], $0xffff  }
0x2e: {  	v4 =	vld.idx.msk [tilespmem:v3+s5+$0x0], $0xffff  }
0x2f: {  	v3 =	vld.idx.msk [tilespmem:v6+s5+$0x0], $0xffff  }
0x30: {  	s31 =	simm.s32 $0x1C740;
	v1 =	vld.idx.msk [tilespmem:v7+s5+$0x0], $0xffff  }
0x31: {  	v0 =	vld.idx.msk [tilespmem:v8+s5+$0x0], $0xffff;
	[tilespmem:s31+$0x30] =	vst v10  }
0x32: {  	s28 =	simm.s32 $0x0;
	s0 =	simm.s32 $0x187C0;
	v2 =	vld.idx.msk [tilespmem:v9+s5+$0x0], $0xffff;
	[tilespmem:s31+$0xFFFFFFD0] =	vst v11  }
.LBB2_3:
0x33: {  	v6 =	vld [tilespmem:s0+$0x30];
	s28 =	sadd.s32 $0x80, s28;
	[tilespmem:s31+$0xFFFFFFE0] =	vst v5  }
0x34: {  	v5 =	vld [tilespmem:s0+$0xFFFFFFD0];
	p1 =	slt.u32 s28, $0xF80;
	[tilespmem:s31+$0xFFFFFFF0] =	vst v4  }
0x35: {  	v4 =	vld [tilespmem:s0+$0xFFFFFFE0];
	[tilespmem:s31+$0x0] =	vst v3  }
0x36: {  	v3 =	vld [tilespmem:s0+$0xFFFFFFF0];
	[tilespmem:s31+$0x10] =	vst v1  }
0x37: {  	v1 =	vld [tilespmem:s0+$0x0];
	[tilespmem:s31+$0x20] =	vst v0  }
0x38: {  	v0 =	vld [tilespmem:s0+$0x10];
	[tilespmem:s31+$0xFFFFFFC0] =	vst v2  }
0x39: {  	v2 =	vld [tilespmem:s0+$0x20]  }
0x3a: {  	v7 =	vld [tilespmem:s0+$0xFFFFFFC0]  }
0x3b: {  	v6 =	vld.idx.msk [tilespmem:v6+s5+$0x0], $0xffff  }
0x3c: {  	v8 =	vld.idx.msk [tilespmem:v5+s5+$0x0], $0xffff  }
0x3d: {  	v5 =	vld.idx.msk [tilespmem:v4+s5+$0x0], $0xffff  }
.Ltmp0:
0x3e: {  	v4 =	vld.idx.msk [tilespmem:v3+s5+$0x0], $0xffff;
	(pc) =	sbr.rel @p1 .LBB2_3-.Ltmp0, $4  }
0x3f: {  	v3 =	vld.idx.msk [tilespmem:v1+s5+$0x0], $0xffff  }
0x40: {  	s31 =	sadd.s32 $0x80, s31;
	v1 =	vld.idx.msk [tilespmem:v0+s5+$0x0], $0xffff  }
0x41: {  	v0 =	vld.idx.msk [tilespmem:v2+s5+$0x0], $0xffff;
	[tilespmem:s31+$0x30] =	vst v6  }
0x42: {  	s0 =	sadd.s32 $0x80, s0;
	v2 =	vld.idx.msk [tilespmem:v7+s5+$0x0], $0xffff;
	[tilespmem:s31+$0xFFFFFFD0] =	vst v8  }
0x43: {  	[tilespmem:s31+$0xFFFFFFE0] =	vst v5;
	s0 =	sshll.u32 s25, $0x14  }
0x44: {  	[tilespmem:s31+$0xFFFFFFF0] =	vst v4;
	s29 =	sor.u32 s8, s0  }
0x45: {  	[tilespmem:s31+$0x0] =	vst v3;
	s28 =	sand.u32 $0x1FE0000, s29  }
0x46: {  	[tilespmem:s31+$0x10] =	vst v1;
	s13 =	sor.u32 s7, s28  }
0x47: {  	[tilespmem:s31+$0x20] =	vst v0;
	s30 =	sshrl.u32 s13, $0x3  }
0x48: {  	[tilespmem:s31+$0xFFFFFFC0] =	vst v2;
	s13 =	simm.s32 $0x19770;
	s0 =	sadd.s32 s3, s30  }
0x49: {  	[hbm4b:s0+s15] =	stream.strided.scatter [tilespmem:s20], [sflag:$0x1], $0x1000, s19, s15, $0x38;
	[tilespmem:$0x1EF00] =	vst v63  }
0x4a: {  	v0 =	vld [tilespmem:s13+$0x0]  }
0x4b: {  	v1 =	vld [tilespmem:s13+$0xFFFFFFA0]  }
0x4c: {  	v2 =	vld [tilespmem:s13+$0xFFFFFFB0]  }
0x4d: {  	v3 =	vld [tilespmem:s13+$0xFFFFFFC0]  }
0x4e: {  	v4 =	vld [tilespmem:s13+$0xFFFFFFD0]  }
0x4f: {  	v6 =	vld [tilespmem:s13+$0xFFFFFFE0]  }
0x50: {  	v7 =	vld [tilespmem:s13+$0xFFFFFFF0]  }
0x51: {  	v8 =	vld [tilespmem:s13+$0xFFFFFF90]  }
0x52: {  	v9 =	vld.idx.msk [tilespmem:v0+s5+$0x0], $0xffff  }
0x53: {  	v10 =	vld.idx.msk [tilespmem:v1+s5+$0x0], $0xffff  }
0x54: {  	v5 =	vld.idx.msk [tilespmem:v2+s5+$0x0], $0xffff  }
0x55: {  	v3 =	vld.idx.msk [tilespmem:v3+s5+$0x0], $0xffff  }
0x56: {  	v0 =	vld.idx.msk [tilespmem:v4+s5+$0x0], $0xffff  }
0x57: {  	s31 =	simm.s32 $0x1D740;
	v1 =	vld.idx.msk [tilespmem:v6+s5+$0x0], $0xffff  }
0x58: {  	v2 =	vld.idx.msk [tilespmem:v7+s5+$0x0], $0xffff;
	[tilespmem:s31+$0x30] =	vst v9  }
0x59: {  	s0 =	simm.s32 $0x0;
	s13 =	simm.s32 $0x197F0;
	v4 =	vld.idx.msk [tilespmem:v8+s5+$0x0], $0xffff;
	[tilespmem:s31+$0xFFFFFFD0] =	vst v10  }
.LBB2_5:
0x5a: {  	v6 =	vld [tilespmem:s13+$0x0];
	s0 =	sadd.s32 $0x80, s0;
	[tilespmem:s31+$0xFFFFFFE0] =	vst v5  }
0x5b: {  	v5 =	vld [tilespmem:s13+$0xFFFFFFA0];
	p1 =	slt.u32 s0, $0xF80;
	[tilespmem:s31+$0xFFFFFFF0] =	vst v3  }
0x5c: {  	v3 =	vld [tilespmem:s13+$0xFFFFFFB0];
	[tilespmem:s31+$0x0] =	vst v0  }
0x5d: {  	v0 =	vld [tilespmem:s13+$0xFFFFFFC0];
	[tilespmem:s31+$0x10] =	vst v1  }
0x5e: {  	v1 =	vld [tilespmem:s13+$0xFFFFFFD0];
	[tilespmem:s31+$0x20] =	vst v2  }
0x5f: {  	v2 =	vld [tilespmem:s13+$0xFFFFFFE0];
	[tilespmem:s31+$0xFFFFFFC0] =	vst v4  }
0x60: {  	v4 =	vld [tilespmem:s13+$0xFFFFFFF0]  }
0x61: {  	v7 =	vld [tilespmem:s13+$0xFFFFFF90]  }
0x62: {  	v6 =	vld.idx.msk [tilespmem:v6+s5+$0x0], $0xffff  }
0x63: {  	v8 =	vld.idx.msk [tilespmem:v5+s5+$0x0], $0xffff  }
0x64: {  	v5 =	vld.idx.msk [tilespmem:v3+s5+$0x0], $0xffff  }
.Ltmp1:
0x65: {  	v3 =	vld.idx.msk [tilespmem:v0+s5+$0x0], $0xffff;
	(pc) =	sbr.rel @p1 .LBB2_5-.Ltmp1, $4  }
0x66: {  	v0 =	vld.idx.msk [tilespmem:v1+s5+$0x0], $0xffff  }
0x67: {  	s31 =	sadd.s32 $0x80, s31;
	v1 =	vld.idx.msk [tilespmem:v2+s5+$0x0], $0xffff  }
0x68: {  	v2 =	vld.idx.msk [tilespmem:v4+s5+$0x0], $0xffff;
	[tilespmem:s31+$0x30] =	vst v6  }
0x69: {  	s13 =	sadd.s32 $0x80, s13;
	v4 =	vld.idx.msk [tilespmem:v7+s5+$0x0], $0xffff;
	[tilespmem:s31+$0xFFFFFFD0] =	vst v8  }
0x6a: {  	[tilespmem:s31+$0xFFFFFFE0] =	vst v5  }
0x6b: {  	[tilespmem:s31+$0xFFFFFFF0] =	vst v3  }
0x6c: {  	[tilespmem:s31+$0x0] =	vst v0  }
0x6d: {  	[tilespmem:s31+$0x10] =	vst v1  }
0x6e: {  	[tilespmem:s31+$0x20] =	vst v2  }
0x6f: {  	s0 =	sadd.s32 s30, s9;
	[tilespmem:s31+$0xFFFFFFC0] =	vst v4  }
0x70: {  	[hbm4b:s0+s15] =	stream.strided.scatter [tilespmem:s21], [sflag:$0x2], $0x1000, s19, s15, $0x38;
	[tilespmem:$0x1EF00] =	vst v63  }
0x71: {  	_ =	swait.ge [sflag:s22], $0x1000  }
0x72: {  	[sflag:s22] =	ssyncset.done $0x0  }
0x73: {  	s13 =	simm.s32 $0x1A770;
	[sflag:s22] =	ssyncadd.s32 $0xFFFFF000  }
0x74: {  	v0 =	vld [tilespmem:s13+$0x0]  }
0x75: {  	v1 =	vld [tilespmem:s13+$0xFFFFFFA0]  }
0x76: {  	v2 =	vld [tilespmem:s13+$0xFFFFFFB0]  }
0x77: {  	v3 =	vld [tilespmem:s13+$0xFFFFFFC0]  }
0x78: {  	v4 =	vld [tilespmem:s13+$0xFFFFFFD0]  }
0x79: {  	v6 =	vld [tilespmem:s13+$0xFFFFFFE0]  }
0x7a: {  	v7 =	vld [tilespmem:s13+$0xFFFFFFF0]  }
0x7b: {  	v8 =	vld [tilespmem:s13+$0xFFFFFF90]  }
0x7c: {  	v9 =	vld.idx.msk [tilespmem:v0+s5+$0x0], $0xffff  }
0x7d: {  	v10 =	vld.idx.msk [tilespmem:v1+s5+$0x0], $0xffff  }
0x7e: {  	v5 =	vld.idx.msk [tilespmem:v2+s5+$0x0], $0xffff  }
0x7f: {  	v3 =	vld.idx.msk [tilespmem:v3+s5+$0x0], $0xffff  }
0x80: {  	v0 =	vld.idx.msk [tilespmem:v4+s5+$0x0], $0xffff  }
0x81: {  	s31 =	simm.s32 $0x1C740;
	v1 =	vld.idx.msk [tilespmem:v6+s5+$0x0], $0xffff  }
0x82: {  	v2 =	vld.idx.msk [tilespmem:v7+s5+$0x0], $0xffff;
	[tilespmem:s31+$0x30] =	vst v9  }
0x83: {  	s0 =	simm.s32 $0x0;
	s13 =	simm.s32 $0x1A7F0;
	v4 =	vld.idx.msk [tilespmem:v8+s5+$0x0], $0xffff;
	[tilespmem:s31+$0xFFFFFFD0] =	vst v10  }
.LBB2_7:
0x84: {  	v6 =	vld [tilespmem:s13+$0x0];
	s0 =	sadd.s32 $0x80, s0;
	[tilespmem:s31+$0xFFFFFFE0] =	vst v5  }
0x85: {  	v5 =	vld [tilespmem:s13+$0xFFFFFFA0];
	p1 =	slt.u32 s0, $0xF80;
	[tilespmem:s31+$0xFFFFFFF0] =	vst v3  }
0x86: {  	v3 =	vld [tilespmem:s13+$0xFFFFFFB0];
	[tilespmem:s31+$0x0] =	vst v0  }
0x87: {  	v0 =	vld [tilespmem:s13+$0xFFFFFFC0];
	[tilespmem:s31+$0x10] =	vst v1  }
0x88: {  	v1 =	vld [tilespmem:s13+$0xFFFFFFD0];
	[tilespmem:s31+$0x20] =	vst v2  }
0x89: {  	v2 =	vld [tilespmem:s13+$0xFFFFFFE0];
	[tilespmem:s31+$0xFFFFFFC0] =	vst v4  }
0x8a: {  	v4 =	vld [tilespmem:s13+$0xFFFFFFF0]  }
0x8b: {  	v7 =	vld [tilespmem:s13+$0xFFFFFF90]  }
0x8c: {  	v6 =	vld.idx.msk [tilespmem:v6+s5+$0x0], $0xffff  }
0x8d: {  	v8 =	vld.idx.msk [tilespmem:v5+s5+$0x0], $0xffff  }
0x8e: {  	v5 =	vld.idx.msk [tilespmem:v3+s5+$0x0], $0xffff  }
.Ltmp2:
0x8f: {  	v3 =	vld.idx.msk [tilespmem:v0+s5+$0x0], $0xffff;
	(pc) =	sbr.rel @p1 .LBB2_7-.Ltmp2, $4  }
0x90: {  	v0 =	vld.idx.msk [tilespmem:v1+s5+$0x0], $0xffff  }
0x91: {  	s31 =	sadd.s32 $0x80, s31;
	v1 =	vld.idx.msk [tilespmem:v2+s5+$0x0], $0xffff  }
0x92: {  	v2 =	vld.idx.msk [tilespmem:v4+s5+$0x0], $0xffff;
	[tilespmem:s31+$0x30] =	vst v6  }
0x93: {  	s13 =	sadd.s32 $0x80, s13;
	v4 =	vld.idx.msk [tilespmem:v7+s5+$0x0], $0xffff;
	[tilespmem:s31+$0xFFFFFFD0] =	vst v8  }
0x94: {  	[tilespmem:s31+$0xFFFFFFE0] =	vst v5  }
0x95: {  	[tilespmem:s31+$0xFFFFFFF0] =	vst v3  }
0x96: {  	[tilespmem:s31+$0x0] =	vst v0  }
0x97: {  	[tilespmem:s31+$0x10] =	vst v1  }
0x98: {  	[tilespmem:s31+$0x20] =	vst v2  }
0x99: {  	s0 =	sadd.s32 s30, s10;
	[tilespmem:s31+$0xFFFFFFC0] =	vst v4  }
0x9a: {  	[hbm4b:s0+s15] =	stream.strided.scatter [tilespmem:s20], [sflag:$0x1], $0x1000, s19, s15, $0x38;
	[tilespmem:$0x1EF00] =	vst v63  }
0x9b: {  	_ =	swait.ge [sflag:s23], $0x1000  }
0x9c: {  	[sflag:s23] =	ssyncset.done $0x0  }
0x9d: {  	s31 =	simm.s32 $0x1B770;
	[sflag:s23] =	ssyncadd.s32 $0xFFFFF000  }
0x9e: {  	v0 =	vld [tilespmem:s31+$0x0]  }
0x9f: {  	v1 =	vld [tilespmem:s31+$0xFFFFFFA0]  }
0xa0: {  	v2 =	vld [tilespmem:s31+$0xFFFFFFB0]  }
0xa1: {  	v3 =	vld [tilespmem:s31+$0xFFFFFFC0]  }
0xa2: {  	v6 =	vld [tilespmem:s31+$0xFFFFFFD0]  }
0xa3: {  	v7 =	vld [tilespmem:s31+$0xFFFFFFE0]  }
0xa4: {  	v8 =	vld [tilespmem:s31+$0xFFFFFFF0]  }
0xa5: {  	v9 =	vld [tilespmem:s31+$0xFFFFFF90]  }
0xa6: {  	v10 =	vld.idx.msk [tilespmem:v0+s5+$0x0], $0xffff  }
0xa7: {  	v11 =	vld.idx.msk [tilespmem:v1+s5+$0x0], $0xffff  }
0xa8: {  	v5 =	vld.idx.msk [tilespmem:v2+s5+$0x0], $0xffff  }
0xa9: {  	v4 =	vld.idx.msk [tilespmem:v3+s5+$0x0], $0xffff  }
0xaa: {  	v3 =	vld.idx.msk [tilespmem:v6+s5+$0x0], $0xffff  }
0xab: {  	s30 =	simm.s32 $0x1D740;
	v1 =	vld.idx.msk [tilespmem:v7+s5+$0x0], $0xffff  }
0xac: {  	v0 =	vld.idx.msk [tilespmem:v8+s5+$0x0], $0xffff;
	[tilespmem:s30+$0x30] =	vst v10  }
0xad: {  	s13 =	simm.s32 $0x1B7F0;
	s0 =	simm.s32 $0x0;
	v2 =	vld.idx.msk [tilespmem:v9+s5+$0x0], $0xffff;
	[tilespmem:s30+$0xFFFFFFD0] =	vst v11  }
.LBB2_9:
0xae: {  	v6 =	vld [tilespmem:s13+$0x0];
	s0 =	sadd.s32 $0x80, s0;
	[tilespmem:s30+$0xFFFFFFE0] =	vst v5  }
0xaf: {  	v5 =	vld [tilespmem:s13+$0xFFFFFFA0];
	p1 =	slt.u32 s0, $0xF80;
	[tilespmem:s30+$0xFFFFFFF0] =	vst v4  }
0xb0: {  	v4 =	vld [tilespmem:s13+$0xFFFFFFB0];
	[tilespmem:s30+$0x0] =	vst v3  }
0xb1: {  	v3 =	vld [tilespmem:s13+$0xFFFFFFC0];
	[tilespmem:s30+$0x10] =	vst v1  }
0xb2: {  	v1 =	vld [tilespmem:s13+$0xFFFFFFD0];
	[tilespmem:s30+$0x20] =	vst v0  }
0xb3: {  	v0 =	vld [tilespmem:s13+$0xFFFFFFE0];
	[tilespmem:s30+$0xFFFFFFC0] =	vst v2  }
0xb4: {  	v2 =	vld [tilespmem:s13+$0xFFFFFFF0]  }
0xb5: {  	v7 =	vld [tilespmem:s13+$0xFFFFFF90]  }
0xb6: {  	v6 =	vld.idx.msk [tilespmem:v6+s5+$0x0], $0xffff  }
0xb7: {  	v8 =	vld.idx.msk [tilespmem:v5+s5+$0x0], $0xffff  }
0xb8: {  	v5 =	vld.idx.msk [tilespmem:v4+s5+$0x0], $0xffff  }
.Ltmp3:
0xb9: {  	v4 =	vld.idx.msk [tilespmem:v3+s5+$0x0], $0xffff;
	(pc) =	sbr.rel @p1 .LBB2_9-.Ltmp3, $4  }
0xba: {  	v3 =	vld.idx.msk [tilespmem:v1+s5+$0x0], $0xffff  }
0xbb: {  	s30 =	sadd.s32 $0x80, s30;
	v1 =	vld.idx.msk [tilespmem:v0+s5+$0x0], $0xffff  }
0xbc: {  	v0 =	vld.idx.msk [tilespmem:v2+s5+$0x0], $0xffff;
	[tilespmem:s30+$0x30] =	vst v6  }
0xbd: {  	s13 =	sadd.s32 $0x80, s13;
	v2 =	vld.idx.msk [tilespmem:v7+s5+$0x0], $0xffff;
	[tilespmem:s30+$0xFFFFFFD0] =	vst v8  }
0xbe: {  	[tilespmem:s30+$0xFFFFFFE0] =	vst v5  }
0xbf: {  	[tilespmem:s30+$0xFFFFFFF0] =	vst v4  }
0xc0: {  	s0 =	sor.u32 s7, s29;
	[tilespmem:s30+$0x0] =	vst v3  }
0xc1: {  	s0 =	sshrl.u32 s0, $0x3;
	[tilespmem:s30+$0x10] =	vst v1  }
0xc2: {  	s0 =	sor.u32 $0x3000, s0;
	[tilespmem:s30+$0x20] =	vst v0  }
0xc3: {  	s0 =	sadd.s32 s3, s0;
	[tilespmem:s30+$0xFFFFFFC0] =	vst v2;
	s30 =	sor.u32 s11, s26  }
0xc4: {  	[hbm4b:s0+s15] =	stream.strided.scatter [tilespmem:s21], [sflag:$0x2], $0x1000, s19, s15, $0x38;
	[tilespmem:$0x1EF00] =	vst v63  }
0xc5: {  	s0 =	sshrl.u32 s30, $0x3  }
0xc6: {  	s0 =	sadd.s32 s1, s0  }
0xc7: {  	[tilespmem:s5], [sflag:$0x4] =	stream.strided.gather [hbm4b:s0+s15], $0x18700, s19, s15, $0x38;
	[tilespmem:$0x1EF00] =	vst v63  }
0xc8: {  	_ =	swait.ge [sflag:s18], $0x18700  }
0xc9: {  	[sflag:s18] =	ssyncset.done $0x0  }
0xca: {  	[sflag:s18] =	ssyncadd.s32 $0xFFFE7900  }
0xcb: {  	_ =	swait.ge [sflag:s22], $0x1000  }
0xcc: {  	[sflag:s22] =	ssyncset.done $0x0  }
0xcd: {  	s31 =	simm.s32 $0x18740;
	[sflag:s22] =	ssyncadd.s32 $0xFFFFF000  }
0xce: {  	v0 =	vld [tilespmem:s31+$0x30]  }
0xcf: {  	v1 =	vld [tilespmem:s31+$0xFFFFFFD0]  }
0xd0: {  	v2 =	vld [tilespmem:s31+$0xFFFFFFE0]  }
0xd1: {  	v3 =	vld [tilespmem:s31+$0xFFFFFFF0]  }
0xd2: {  	v6 =	vld [tilespmem:s31+$0x0]  }
0xd3: {  	v7 =	vld [tilespmem:s31+$0x10]  }
0xd4: {  	v8 =	vld [tilespmem:s31+$0x20]  }
0xd5: {  	v9 =	vld [tilespmem:s31+$0xFFFFFFC0]  }
0xd6: {  	v10 =	vld.idx.msk [tilespmem:v0+s5+$0x0], $0xffff  }
0xd7: {  	v11 =	vld.idx.msk [tilespmem:v1+s5+$0x0], $0xffff  }
0xd8: {  	v5 =	vld.idx.msk [tilespmem:v2+s5+$0x0], $0xffff  }
0xd9: {  	v4 =	vld.idx.msk [tilespmem:v3+s5+$0x0], $0xffff  }
0xda: {  	v1 =	vld.idx.msk [tilespmem:v6+s5+$0x0], $0xffff  }
0xdb: {  	s29 =	simm.s32 $0x1C740;
	v2 =	vld.idx.msk [tilespmem:v7+s5+$0x0], $0xffff  }
0xdc: {  	v0 =	vld.idx.msk [tilespmem:v8+s5+$0x0], $0xffff;
	[tilespmem:s29+$0x30] =	vst v10  }
0xdd: {  	s13 =	simm.s32 $0x187C0;
	s0 =	simm.s32 $0x0;
	v3 =	vld.idx.msk [tilespmem:v9+s5+$0x0], $0xffff;
	[tilespmem:s29+$0xFFFFFFD0] =	vst v11  }
.LBB2_11:
0xde: {  	v6 =	vld [tilespmem:s13+$0x30];
	s0 =	sadd.s32 $0x80, s0;
	[tilespmem:s29+$0xFFFFFFE0] =	vst v5  }
0xdf: {  	v5 =	vld [tilespmem:s13+$0xFFFFFFD0];
	p1 =	slt.u32 s0, $0xF80;
	[tilespmem:s29+$0xFFFFFFF0] =	vst v4  }
0xe0: {  	v4 =	vld [tilespmem:s13+$0xFFFFFFE0];
	[tilespmem:s29+$0x0] =	vst v1  }
0xe1: {  	v1 =	vld [tilespmem:s13+$0xFFFFFFF0];
	[tilespmem:s29+$0x10] =	vst v2  }
0xe2: {  	v2 =	vld [tilespmem:s13+$0x0];
	[tilespmem:s29+$0x20] =	vst v0  }
0xe3: {  	v0 =	vld [tilespmem:s13+$0x10];
	[tilespmem:s29+$0xFFFFFFC0] =	vst v3  }
0xe4: {  	v3 =	vld [tilespmem:s13+$0x20]  }
0xe5: {  	v7 =	vld [tilespmem:s13+$0xFFFFFFC0]  }
0xe6: {  	v6 =	vld.idx.msk [tilespmem:v6+s5+$0x0], $0xffff  }
0xe7: {  	v8 =	vld.idx.msk [tilespmem:v5+s5+$0x0], $0xffff  }
0xe8: {  	v5 =	vld.idx.msk [tilespmem:v4+s5+$0x0], $0xffff  }
.Ltmp4:
0xe9: {  	v4 =	vld.idx.msk [tilespmem:v1+s5+$0x0], $0xffff;
	(pc) =	sbr.rel @p1 .LBB2_11-.Ltmp4, $4  }
0xea: {  	v1 =	vld.idx.msk [tilespmem:v2+s5+$0x0], $0xffff  }
0xeb: {  	s29 =	sadd.s32 $0x80, s29;
	v2 =	vld.idx.msk [tilespmem:v0+s5+$0x0], $0xffff  }
0xec: {  	v0 =	vld.idx.msk [tilespmem:v3+s5+$0x0], $0xffff;
	[tilespmem:s29+$0x30] =	vst v6  }
0xed: {  	s13 =	sadd.s32 $0x80, s13;
	v3 =	vld.idx.msk [tilespmem:v7+s5+$0x0], $0xffff;
	[tilespmem:s29+$0xFFFFFFD0] =	vst v8  }
0xee: {  	[tilespmem:s29+$0xFFFFFFE0] =	vst v5  }
0xef: {  	[tilespmem:s29+$0xFFFFFFF0] =	vst v4  }
0xf0: {  	[tilespmem:s29+$0x0] =	vst v1  }
0xf1: {  	s0 =	sor.u32 s11, s28;
	[tilespmem:s29+$0x10] =	vst v2  }
0xf2: {  	s26 =	sshrl.u32 s0, $0x3;
	[tilespmem:s29+$0x20] =	vst v0  }
0xf3: {  	s0 =	sadd.s32 s3, s26;
	[tilespmem:s29+$0xFFFFFFC0] =	vst v3  }
0xf4: {  	[hbm4b:s0+s15] =	stream.strided.scatter [tilespmem:s20], [sflag:$0x1], $0x1000, s19, s15, $0x38;
	[tilespmem:$0x1EF00] =	vst v63  }
0xf5: {  	_ =	swait.ge [sflag:s23], $0x1000  }
0xf6: {  	[sflag:s23] =	ssyncset.done $0x0  }
0xf7: {  	s31 =	simm.s32 $0x19770;
	[sflag:s23] =	ssyncadd.s32 $0xFFFFF000  }
0xf8: {  	v0 =	vld [tilespmem:s31+$0x0]  }
0xf9: {  	v1 =	vld [tilespmem:s31+$0xFFFFFFA0]  }
0xfa: {  	v2 =	vld [tilespmem:s31+$0xFFFFFFB0]  }
0xfb: {  	v3 =	vld [tilespmem:s31+$0xFFFFFFC0]  }
0xfc: {  	v4 =	vld [tilespmem:s31+$0xFFFFFFD0]  }
0xfd: {  	v6 =	vld [tilespmem:s31+$0xFFFFFFE0]  }
0xfe: {  	v7 =	vld [tilespmem:s31+$0xFFFFFFF0]  }
0xff: {  	v8 =	vld [tilespmem:s31+$0xFFFFFF90]  }
0x100: {  	v9 =	vld.idx.msk [tilespmem:v0+s5+$0x0], $0xffff  }
0x101: {  	v10 =	vld.idx.msk [tilespmem:v1+s5+$0x0], $0xffff  }
0x102: {  	v5 =	vld.idx.msk [tilespmem:v2+s5+$0x0], $0xffff  }
0x103: {  	v3 =	vld.idx.msk [tilespmem:v3+s5+$0x0], $0xffff  }
0x104: {  	v0 =	vld.idx.msk [tilespmem:v4+s5+$0x0], $0xffff  }
0x105: {  	s28 =	simm.s32 $0x1D740;
	v1 =	vld.idx.msk [tilespmem:v6+s5+$0x0], $0xffff  }
0x106: {  	v2 =	vld.idx.msk [tilespmem:v7+s5+$0x0], $0xffff;
	[tilespmem:s28+$0x30] =	vst v9  }
0x107: {  	s13 =	simm.s32 $0x197F0;
	s0 =	simm.s32 $0x0;
	v4 =	vld.idx.msk [tilespmem:v8+s5+$0x0], $0xffff;
	[tilespmem:s28+$0xFFFFFFD0] =	vst v10  }
.LBB2_13:
0x108: {  	v6 =	vld [tilespmem:s13+$0x0];
	s0 =	sadd.s32 $0x80, s0;
	[tilespmem:s28+$0xFFFFFFE0] =	vst v5  }
0x109: {  	v5 =	vld [tilespmem:s13+$0xFFFFFFA0];
	p1 =	slt.u32 s0, $0xF80;
	[tilespmem:s28+$0xFFFFFFF0] =	vst v3  }
0x10a: {  	v3 =	vld [tilespmem:s13+$0xFFFFFFB0];
	[tilespmem:s28+$0x0] =	vst v0  }
0x10b: {  	v0 =	vld [tilespmem:s13+$0xFFFFFFC0];
	[tilespmem:s28+$0x10] =	vst v1  }
0x10c: {  	v1 =	vld [tilespmem:s13+$0xFFFFFFD0];
	[tilespmem:s28+$0x20] =	vst v2  }
0x10d: {  	v2 =	vld [tilespmem:s13+$0xFFFFFFE0];
	[tilespmem:s28+$0xFFFFFFC0] =	vst v4  }
0x10e: {  	v4 =	vld [tilespmem:s13+$0xFFFFFFF0]  }
0x10f: {  	v7 =	vld [tilespmem:s13+$0xFFFFFF90]  }
0x110: {  	v6 =	vld.idx.msk [tilespmem:v6+s5+$0x0], $0xffff  }
0x111: {  	v8 =	vld.idx.msk [tilespmem:v5+s5+$0x0], $0xffff  }
0x112: {  	v5 =	vld.idx.msk [tilespmem:v3+s5+$0x0], $0xffff  }
.Ltmp5:
0x113: {  	v3 =	vld.idx.msk [tilespmem:v0+s5+$0x0], $0xffff;
	(pc) =	sbr.rel @p1 .LBB2_13-.Ltmp5, $4  }
0x114: {  	v0 =	vld.idx.msk [tilespmem:v1+s5+$0x0], $0xffff  }
0x115: {  	s28 =	sadd.s32 $0x80, s28;
	v1 =	vld.idx.msk [tilespmem:v2+s5+$0x0], $0xffff  }
0x116: {  	v2 =	vld.idx.msk [tilespmem:v4+s5+$0x0], $0xffff;
	[tilespmem:s28+$0x30] =	vst v6  }
0x117: {  	s13 =	sadd.s32 $0x80, s13;
	v4 =	vld.idx.msk [tilespmem:v7+s5+$0x0], $0xffff;
	[tilespmem:s28+$0xFFFFFFD0] =	vst v8  }
0x118: {  	[tilespmem:s28+$0xFFFFFFE0] =	vst v5  }
0x119: {  	[tilespmem:s28+$0xFFFFFFF0] =	vst v3  }
0x11a: {  	[tilespmem:s28+$0x0] =	vst v0  }
0x11b: {  	[tilespmem:s28+$0x10] =	vst v1  }
0x11c: {  	[tilespmem:s28+$0x20] =	vst v2  }
0x11d: {  	s0 =	sadd.s32 s26, s9;
	[tilespmem:s28+$0xFFFFFFC0] =	vst v4  }
0x11e: {  	[hbm4b:s0+s15] =	stream.strided.scatter [tilespmem:s21], [sflag:$0x2], $0x1000, s19, s15, $0x38;
	[tilespmem:$0x1EF00] =	vst v63  }
0x11f: {  	_ =	swait.ge [sflag:s22], $0x1000  }
0x120: {  	[sflag:s22] =	ssyncset.done $0x0  }
0x121: {  	s31 =	simm.s32 $0x1A770;
	[sflag:s22] =	ssyncadd.s32 $0xFFFFF000  }
0x122: {  	v0 =	vld [tilespmem:s31+$0x0]  }
0x123: {  	v1 =	vld [tilespmem:s31+$0xFFFFFFA0]  }
0x124: {  	v2 =	vld [tilespmem:s31+$0xFFFFFFB0]  }
0x125: {  	v3 =	vld [tilespmem:s31+$0xFFFFFFC0]  }
0x126: {  	v4 =	vld [tilespmem:s31+$0xFFFFFFD0]  }
0x127: {  	v6 =	vld [tilespmem:s31+$0xFFFFFFE0]  }
0x128: {  	v7 =	vld [tilespmem:s31+$0xFFFFFFF0]  }
0x129: {  	v8 =	vld [tilespmem:s31+$0xFFFFFF90]  }
0x12a: {  	v9 =	vld.idx.msk [tilespmem:v0+s5+$0x0], $0xffff  }
0x12b: {  	v10 =	vld.idx.msk [tilespmem:v1+s5+$0x0], $0xffff  }
0x12c: {  	v5 =	vld.idx.msk [tilespmem:v2+s5+$0x0], $0xffff  }
0x12d: {  	v3 =	vld.idx.msk [tilespmem:v3+s5+$0x0], $0xffff  }
0x12e: {  	v0 =	vld.idx.msk [tilespmem:v4+s5+$0x0], $0xffff  }
0x12f: {  	s28 =	simm.s32 $0x1C740;
	v1 =	vld.idx.msk [tilespmem:v6+s5+$0x0], $0xffff  }
0x130: {  	v2 =	vld.idx.msk [tilespmem:v7+s5+$0x0], $0xffff;
	[tilespmem:s28+$0x30] =	vst v9  }
0x131: {  	s13 =	simm.s32 $0x1A7F0;
	s0 =	simm.s32 $0x0;
	v4 =	vld.idx.msk [tilespmem:v8+s5+$0x0], $0xffff;
	[tilespmem:s28+$0xFFFFFFD0] =	vst v10  }
.LBB2_15:
0x132: {  	v6 =	vld [tilespmem:s13+$0x0];
	s0 =	sadd.s32 $0x80, s0;
	[tilespmem:s28+$0xFFFFFFE0] =	vst v5  }
0x133: {  	v5 =	vld [tilespmem:s13+$0xFFFFFFA0];
	p1 =	slt.u32 s0, $0xF80;
	[tilespmem:s28+$0xFFFFFFF0] =	vst v3  }
0x134: {  	v3 =	vld [tilespmem:s13+$0xFFFFFFB0];
	[tilespmem:s28+$0x0] =	vst v0  }
0x135: {  	v0 =	vld [tilespmem:s13+$0xFFFFFFC0];
	[tilespmem:s28+$0x10] =	vst v1  }
0x136: {  	v1 =	vld [tilespmem:s13+$0xFFFFFFD0];
	[tilespmem:s28+$0x20] =	vst v2  }
0x137: {  	v2 =	vld [tilespmem:s13+$0xFFFFFFE0];
	[tilespmem:s28+$0xFFFFFFC0] =	vst v4  }
0x138: {  	v4 =	vld [tilespmem:s13+$0xFFFFFFF0]  }
0x139: {  	v7 =	vld [tilespmem:s13+$0xFFFFFF90]  }
0x13a: {  	v6 =	vld.idx.msk [tilespmem:v6+s5+$0x0], $0xffff  }
0x13b: {  	v8 =	vld.idx.msk [tilespmem:v5+s5+$0x0], $0xffff  }
0x13c: {  	v5 =	vld.idx.msk [tilespmem:v3+s5+$0x0], $0xffff  }
.Ltmp6:
0x13d: {  	v3 =	vld.idx.msk [tilespmem:v0+s5+$0x0], $0xffff;
	(pc) =	sbr.rel @p1 .LBB2_15-.Ltmp6, $4  }
0x13e: {  	v0 =	vld.idx.msk [tilespmem:v1+s5+$0x0], $0xffff  }
0x13f: {  	s28 =	sadd.s32 $0x80, s28;
	v1 =	vld.idx.msk [tilespmem:v2+s5+$0x0], $0xffff  }
0x140: {  	v2 =	vld.idx.msk [tilespmem:v4+s5+$0x0], $0xffff;
	[tilespmem:s28+$0x30] =	vst v6  }
0x141: {  	s13 =	sadd.s32 $0x80, s13;
	v4 =	vld.idx.msk [tilespmem:v7+s5+$0x0], $0xffff;
	[tilespmem:s28+$0xFFFFFFD0] =	vst v8  }
0x142: {  	[tilespmem:s28+$0xFFFFFFE0] =	vst v5  }
0x143: {  	[tilespmem:s28+$0xFFFFFFF0] =	vst v3  }
0x144: {  	[tilespmem:s28+$0x0] =	vst v0  }
0x145: {  	[tilespmem:s28+$0x10] =	vst v1  }
0x146: {  	[tilespmem:s28+$0x20] =	vst v2  }
0x147: {  	s0 =	sadd.s32 s26, s10;
	[tilespmem:s28+$0xFFFFFFC0] =	vst v4  }
0x148: {  	[hbm4b:s0+s15] =	stream.strided.scatter [tilespmem:s20], [sflag:$0x1], $0x1000, s19, s15, $0x38;
	[tilespmem:$0x1EF00] =	vst v63  }
0x149: {  	_ =	swait.ge [sflag:s23], $0x1000  }
0x14a: {  	[sflag:s23] =	ssyncset.done $0x0  }
0x14b: {  	s31 =	simm.s32 $0x1B770;
	[sflag:s23] =	ssyncadd.s32 $0xFFFFF000  }
0x14c: {  	v0 =	vld [tilespmem:s31+$0x0]  }
0x14d: {  	v1 =	vld [tilespmem:s31+$0xFFFFFFA0]  }
0x14e: {  	v2 =	vld [tilespmem:s31+$0xFFFFFFB0]  }
0x14f: {  	v3 =	vld [tilespmem:s31+$0xFFFFFFC0]  }
0x150: {  	v4 =	vld [tilespmem:s31+$0xFFFFFFD0]  }
0x151: {  	v6 =	vld [tilespmem:s31+$0xFFFFFFE0]  }
0x152: {  	v7 =	vld [tilespmem:s31+$0xFFFFFFF0]  }
0x153: {  	v8 =	vld [tilespmem:s31+$0xFFFFFF90]  }
0x154: {  	v9 =	vld.idx.msk [tilespmem:v0+s5+$0x0], $0xffff  }
0x155: {  	v10 =	vld.idx.msk [tilespmem:v1+s5+$0x0], $0xffff  }
0x156: {  	v5 =	vld.idx.msk [tilespmem:v2+s5+$0x0], $0xffff  }
0x157: {  	v3 =	vld.idx.msk [tilespmem:v3+s5+$0x0], $0xffff  }
0x158: {  	v0 =	vld.idx.msk [tilespmem:v4+s5+$0x0], $0xffff  }
0x159: {  	s28 =	simm.s32 $0x1D740;
	v1 =	vld.idx.msk [tilespmem:v6+s5+$0x0], $0xffff  }
0x15a: {  	v2 =	vld.idx.msk [tilespmem:v7+s5+$0x0], $0xffff;
	[tilespmem:s28+$0x30] =	vst v9  }
0x15b: {  	s13 =	simm.s32 $0x1B7F0;
	s0 =	simm.s32 $0x0;
	v4 =	vld.idx.msk [tilespmem:v8+s5+$0x0], $0xffff;
	[tilespmem:s28+$0xFFFFFFD0] =	vst v10  }
.LBB2_17:
0x15c: {  	v6 =	vld [tilespmem:s13+$0x0];
	s0 =	sadd.s32 $0x80, s0;
	[tilespmem:s28+$0xFFFFFFE0] =	vst v5  }
0x15d: {  	v5 =	vld [tilespmem:s13+$0xFFFFFFA0];
	p1 =	slt.u32 s0, $0xF80;
	[tilespmem:s28+$0xFFFFFFF0] =	vst v3  }
0x15e: {  	v3 =	vld [tilespmem:s13+$0xFFFFFFB0];
	[tilespmem:s28+$0x0] =	vst v0  }
0x15f: {  	v0 =	vld [tilespmem:s13+$0xFFFFFFC0];
	[tilespmem:s28+$0x10] =	vst v1  }
0x160: {  	v1 =	vld [tilespmem:s13+$0xFFFFFFD0];
	[tilespmem:s28+$0x20] =	vst v2  }
0x161: {  	v2 =	vld [tilespmem:s13+$0xFFFFFFE0];
	[tilespmem:s28+$0xFFFFFFC0] =	vst v4  }
0x162: {  	v4 =	vld [tilespmem:s13+$0xFFFFFFF0]  }
0x163: {  	v7 =	vld [tilespmem:s13+$0xFFFFFF90]  }
0x164: {  	v6 =	vld.idx.msk [tilespmem:v6+s5+$0x0], $0xffff  }
0x165: {  	v8 =	vld.idx.msk [tilespmem:v5+s5+$0x0], $0xffff  }
0x166: {  	v5 =	vld.idx.msk [tilespmem:v3+s5+$0x0], $0xffff  }
.Ltmp7:
0x167: {  	v3 =	vld.idx.msk [tilespmem:v0+s5+$0x0], $0xffff;
	(pc) =	sbr.rel @p1 .LBB2_17-.Ltmp7, $4  }
0x168: {  	v0 =	vld.idx.msk [tilespmem:v1+s5+$0x0], $0xffff  }
0x169: {  	s28 =	sadd.s32 $0x80, s28;
	v1 =	vld.idx.msk [tilespmem:v2+s5+$0x0], $0xffff  }
0x16a: {  	v2 =	vld.idx.msk [tilespmem:v4+s5+$0x0], $0xffff;
	[tilespmem:s28+$0x30] =	vst v6  }
0x16b: {  	s13 =	sadd.s32 $0x80, s13;
	v4 =	vld.idx.msk [tilespmem:v7+s5+$0x0], $0xffff;
	[tilespmem:s28+$0xFFFFFFD0] =	vst v8  }
0x16c: {  	[tilespmem:s28+$0xFFFFFFE0] =	vst v5  }
0x16d: {  	[tilespmem:s28+$0xFFFFFFF0] =	vst v3  }
0x16e: {  	[tilespmem:s28+$0x0] =	vst v0  }
0x16f: {  	p1 =	seq.s32 @!p0 s25, $0x19;
	[tilespmem:s28+$0x10] =	vst v1  }
0x170: {  	s25 =	sadd.s32 $0x1, s25;
	p1 =	por p1, p0;
	[tilespmem:s28+$0x20] =	vst v2  }
0x171: {  	s0 =	sadd.s32 s26, s12;
	s13 =	sshll.u32 @!p1 s25, $0x7;
	s26 =	sshll.u32 @!p1 s25, $0xB;
	[tilespmem:s28+$0xFFFFFFC0] =	vst v4  }
0x172: {  	[hbm4b:s0+s15] =	stream.strided.scatter [tilespmem:s21], [sflag:$0x2], $0x1000, s19, s15, $0x38;
	[tilespmem:$0x1EF00] =	vst v63  }
0x173: {  	s29 =	simm.s32 @!p1 $0x80;
	s30 =	simm.s32 @!p1 $0x1C03;
	_ =	swait.ge [sflag:s22], $0x1000  }
0x174: {  	s13 =	sand.u32 @!p1 $0x80, s13;
	s26 =	sand.u32 @!p1 $0x1C000, s26;
	[sflag:s22] =	ssyncset.done $0x0  }
0x175: {  	s13 =	sadd.s32 @!p1 s13, s4;
	s0 =	sshll.u32 @!p1 s25, $0x4;
	[sflag:s22] =	ssyncadd.s32 $0xFFFFF000  }
0x176: {  	s28 =	simm.s32 @!p1 $0x20;
	s0 =	sand.u32 @!p1 $0x70, s0;
	_ =	swait.ge [sflag:s23], $0x1000  }
0x177: {  	s13 =	sshrl.u32 @!p1 s13, $0x3;
	s0 =	sadd.s32 @!p1 s2, s0;
	[sflag:s23] =	ssyncset.done $0x0  }
0x178: {  	s0 =	sadd.s32 @!p1 s26, s0;
	s26 =	simm.s32 @!p1 $0x1;
	[sflag:s23] =	ssyncadd.s32 $0xFFFFF000  }
0x179: {  	[spmem:s13@s28], [sflag:s30] =	dma.strided @!p1 [hbm:s0@s29], $0x800, s26, $0x10   }
0x17a: {  	s0 =	simm.s32 @!p1 $0x3  }
0x17b: {  	_ =	swait.ge @!p1 [sflag:s0], $0x800  }
0x17c: {  	[sflag:s0] =	ssyncset.done @!p1 $0x0  }
0x17d: {  	[sflag:s0] =	ssyncadd.s32 @!p1 $0xFFFFF800;
	p1 =	sne.s32 s25, $0x1A  }
.Ltmp8:
0x17e: {  	_ = 	snop;
	(pc) =	sbr.rel @p1 .LBB2_2-.Ltmp8, $2  }
0x17f: {  	_ =	sdelay $0x1  }
0x180: {  	[bflag:$0x0] =	sbarrier.arrive $0xFFFF;
	_ =	sdelay $0x1  }
0x181: {  	s24 =	sadd.s32 $0x1, s24;
	s0 =	rddreg [dreg:$0x5]  }
0x182: {  	p1 =	sne.s32 s24, s0  }
.Ltmp9:
0x183: {  	_ = 	snop;
	(pc) =	sbr.rel @p1 .LBB2_1-.Ltmp9, $1  }
0x184: {  	_ =	sdelay $0x3  }
0x185: {  	_ =	sfence.sel $0x180000  }
0x186: {  	[bflag:$0x0] =	sbarrier.arrive $0xFFFF  }
0x187: {  	_ =	strace $0x90000047  }
0x188: {  	[bflag:$0x2] =	sbarrier.arrive $0xFFFF  }
0x189: {  	s0 =	rddreg [dreg:$0x4]  }
0x18a: {  	s0 =	sadd.s32 @!p0 $0x100000, s0  }
0x18b: {  	[sflag:s0] =	ssyncadd.tile.s32 @!p0 $0x1;
	_ =	shalt  }
.Lfunc_end2:
_tile_overlayer_lowered:
.L_overlay_start_2:
0x18c: {  	(tag) =	ssettag $0x2  }
0x18d: {  	s0 =	rddreg [dreg:$0x0];
	s2 =	stileid.u32  }
0x18e: {  	s1 =	rddreg [dreg:$0x1];
	p0 =	sne.s32 s2, $0x0  }
0x18f: {  	s3 =	rddreg [dreg:$0x2];
	[bflag:$0x3] =	sbarrier.arrive $0xFFFF;
	s2 =	simm.s32 @!p0 $0x1C04  }
0x190: {  	[timem:s3], [sflag:s2] =	dma.local @!p0 [hbm:s0], s1  }
0x191: {  	s0 =	simm.s32 @!p0 $0x4  }
0x192: {  	_ =	swait.ge @!p0 [sflag:s0], s1  }
0x193: {  	s1 =	ssub.s32 @!p0 $0x0, s1;
	[sflag:s0] =	ssyncset.done @!p0 $0x0  }
0x194: {  	[sflag:s0] =	ssyncadd.s32 @!p0 s1  }
0x195: {  	[bflag:$0x3] =	sbarrier.arrive $0xFFFF  }
0x196: {  	_ =	shalt  }

</sc_bundles>
